<compile_context>
chip_gen: v7x
topology: tpu7x:2x2x1
jax: 0.10.2.dev20260603
libtpu: 0.0.44.dev20260713+nightly
codegen_flags: <defaults>
</compile_context>

<pallas_src>
import functools

import jax
import jax.numpy as jnp
from jax import lax
from jax.experimental import pallas as pl
from jax.experimental.pallas import tpu as pltpu
from jax.experimental.pallas import tpu_sc as plsc

TB = 4096

NS = 16
LANES = 16


def _router_body(x_ref, w_ref, idx_ref, val_ref, hard1_ref, imp_ref, imp_acc):
    step = pl.program_id(0)
    nsteps = pl.num_programs(0)

    x = x_ref[...]
    w = w_ref[...]
    logits_tm = jnp.dot(x, w, preferred_element_type=jnp.float32)
    l = logits_tm.T

    m = jnp.max(l, axis=0, keepdims=True)
    i1 = jnp.argmax(l, axis=0).astype(jnp.int32)
    e = jnp.exp(l - m)
    s = jnp.sum(e, axis=0, keepdims=True)
    inv_s = 1.0 / s
    probs = e * inv_s

    rows = jax.lax.broadcasted_iota(jnp.int32, l.shape, 0)
    hit1 = rows == i1[None, :]
    masked = jnp.where(hit1, -jnp.inf, l)
    m2 = jnp.max(masked, axis=0, keepdims=True)
    i2 = jnp.argmax(masked, axis=0).astype(jnp.int32)
    v1 = inv_s
    v2 = jnp.exp(m2 - m) * inv_s

    idx_ref[0:1, :] = i1[None, :]
    idx_ref[1:2, :] = i2[None, :]
    val_ref[0:1, :] = v1
    val_ref[1:2, :] = v2
    hard1_ref[...] = i1

    blk_imp = jnp.sum(probs, axis=1, keepdims=True)

    @pl.when(step == 0)
    def _init():
        imp_acc[...] = blk_imp

    @pl.when(step != 0)
    def _accum():
        imp_acc[...] += blk_imp

    @pl.when(step == nsteps - 1)
    def _emit():
        imp_ref[...] = imp_acc[...].T


def _make_aux_sc(S, E):
    tpw = S // NS
    nch = tpw // LANES
    scale = float(E) / (float(S) * float(S))
    mesh = plsc.VectorSubcoreMesh(
        core_axis_name="c", subcore_axis_name="s",
        num_cores=1, num_subcores=NS,
    )

    @functools.partial(
        pl.kernel,
        out_type=jax.ShapeDtypeStruct((NS, LANES), jnp.float32),
        mesh=mesh,
        scratch_types=[
            pltpu.VMEM((tpw,), jnp.int32),
            pltpu.VMEM((128,), jnp.float32),
            pltpu.VMEM((LANES,), jnp.float32),
        ],
        compiler_params=pltpu.CompilerParams(needs_layout_passes=False),
    )
    def _aux_body(hard1_hbm, imp_hbm, out_hbm, idx_v, imp_v, acc_v):
        sid = lax.axis_index("s")
        pltpu.sync_copy(hard1_hbm.at[pl.ds(sid * tpw, tpw)], idx_v)
        pltpu.sync_copy(imp_hbm, imp_v.at[pl.ds(0, E)])
        acc = jnp.zeros((LANES,), jnp.float32)
        for j in range(nch):
            idx = idx_v[pl.ds(j * LANES, LANES)]
            acc = acc + plsc.load_gather(imp_v, [idx])
        acc_v[...] = acc * scale
        pltpu.sync_copy(acc_v, out_hbm.at[sid])

    return _aux_body


def kernel(x, W):
    S, D = x.shape
    E = W.shape[1]
    grid = (S // TB,)

    idx_t, val_t, hard1, imp = pl.pallas_call(
        _router_body,
        grid=grid,
        in_specs=[
            pl.BlockSpec((TB, D), lambda i: (i, 0)),
            pl.BlockSpec((D, E), lambda i: (0, 0)),
        ],
        out_specs=[
            pl.BlockSpec((2, TB), lambda i: (0, i)),
            pl.BlockSpec((2, TB), lambda i: (0, i)),
            pl.BlockSpec((TB,), lambda i: (i,)),
            pl.BlockSpec((1, E), lambda i: (0, 0)),
        ],
        out_shape=[
            jax.ShapeDtypeStruct((2, S), jnp.int32),
            jax.ShapeDtypeStruct((2, S), jnp.float32),
            jax.ShapeDtypeStruct((S,), jnp.int32),
            jax.ShapeDtypeStruct((1, E), jnp.float32),
        ],
        scratch_shapes=[
            pltpu.VMEM((E, 1), jnp.float32),
        ],
        compiler_params=pltpu.CompilerParams(
            dimension_semantics=("arbitrary",),
        ),
    )(x, W)

    part = _make_aux_sc(S, E)(hard1, imp.reshape(E))
    return idx_t.T, val_t.T, jnp.sum(part)

# --- scband reference (transcript-rebuilt; emitter-appended) ---
"""Pipeline reference for scband-top-kgate-63015760167573 (READ-ONLY COPY).

The authoritative reference and input builder live on the scoring server;
editing this copy changes nothing except your own understanding.
"""

import jax, jax.numpy as jnp
import numpy as np

D_MODEL = 768
N_EXPERTS = 64
TOP_K = 2
N_TOKENS = 32768


def setup_inputs(seed: int = 0) -> dict:
    key = jax.random.key(seed)
    kx, kw = jax.random.split(key)
    x = jax.random.normal(kx, (N_TOKENS, D_MODEL), dtype=jnp.float32)
    # wg: nn.Linear(d_model, n_experts, bias=False); store as [d_model, n_experts]
    W = jax.random.normal(kw, (D_MODEL, N_EXPERTS), dtype=jnp.float32) * (1.0 / np.sqrt(D_MODEL))
    return {"x": x, "W": W}


def reference(x, W):
    # logits = self.wg(x)
    logits = x @ W
    # probs = softmax(logits, dim=-1)
    probs = jax.nn.softmax(logits, axis=-1)
    # topk over experts
    topk_vals, topk_idx = jax.lax.top_k(probs, TOP_K)
    S = probs.shape[0]
    E = probs.shape[1]
    # importance = probs.mean(dim=0)
    importance = probs.mean(axis=0)
    # hard top-1 assignment counts (switch-style load)
    hard1 = topk_idx[:, 0]
    load = jnp.zeros((E,), dtype=probs.dtype).at[hard1].add(1.0)
    load = load / max(S, 1)
    aux_load = E * (importance * load).sum()
    return (topk_idx, topk_vals, aux_load)

if __name__ == "__main__":
    import jax
    _d = setup_inputs()
    print(jax.jit(kernel)(*tuple(_d.values())))

</pallas_src>

<mosaic_0001>
#map = affine_map<(d0, d1) -> (0)>
#map1 = affine_map<(d0, d1) -> (0, 0)>
module attributes {stable_mosaic.version = 14 : i64} {
  func.func @_aux_body(%arg0: i32, %arg1: i32, %arg2: memref<32768xi32, #tpu.memory_space<hbm>>, %arg3: memref<64xf32, #tpu.memory_space<hbm>>, %arg4: memref<16x16xf32, #tpu.memory_space<hbm>>, %arg5: memref<2048xi32, #tpu.memory_space<vmem>>, %arg6: memref<128xf32, #tpu.memory_space<vmem>>, %arg7: memref<16xf32, #tpu.memory_space<vmem>>) attributes {dimension_semantics = [#tpu.dimension_semantics<core_parallel>, #tpu.dimension_semantics<subcore_parallel>], iteration_bounds = array<i64: 1, 16>, scalar_prefetch = 0 : i64, scratch_operands = 3 : i64, tpu.core_type = #tpu.core_type<sc_vector_subcore>, window_params = [{transform_indices = #map}, {transform_indices = #map}, {transform_indices = #map1}]} {
    %mul3A = arith.constant 2048 : i32
    %mul3A_0 = arith.muli %arg1, %mul3A : i32
    "tpu.region"() ({
      %run_scoped3A = tpu.sem_alloc : memref<!tpu.dma_semaphore, #tpu.memory_space<semaphore_mem>>
      %dma_start3A = tpu.memref_slice %arg2[%mul3A_0] : memref<32768xi32, #tpu.memory_space<hbm>> -> memref<2048xi32, #tpu.memory_space<hbm>>
      %dma_start3A_515 = tpu.memref_slice %arg2[%mul3A_0] : memref<32768xi32, #tpu.memory_space<hbm>> -> memref<2048xi32, #tpu.memory_space<hbm>>
      tpu.enqueue_dma source(%dma_start3A_515 : memref<2048xi32, #tpu.memory_space<hbm>>) target(%arg5 : memref<2048xi32, #tpu.memory_space<vmem>>) target_semaphore(%run_scoped3A : memref<!tpu.dma_semaphore, #tpu.memory_space<semaphore_mem>>)
      %dma_wait3A = tpu.memref_slice %arg2[%mul3A_0] : memref<32768xi32, #tpu.memory_space<hbm>> -> memref<2048xi32, #tpu.memory_space<hbm>>
      %dma_wait3A_516 = tpu.memref_slice %arg2[%mul3A_0] : memref<32768xi32, #tpu.memory_space<hbm>> -> memref<2048xi32, #tpu.memory_space<hbm>>
      tpu.wait_dma2 semaphore(%run_scoped3A : memref<!tpu.dma_semaphore, #tpu.memory_space<semaphore_mem>>) src(%dma_wait3A_516 : memref<2048xi32, #tpu.memory_space<hbm>>) dst(%arg5 : memref<2048xi32, #tpu.memory_space<vmem>>)
      tpu.yield
    }) : () -> ()
    "tpu.region"() ({
      %run_scoped3A = tpu.sem_alloc : memref<!tpu.dma_semaphore, #tpu.memory_space<semaphore_mem>>
      %dma_start3A = arith.constant 0 : i32
      %dma_start3A_515 = tpu.memref_slice %arg6[%dma_start3A] : memref<128xf32, #tpu.memory_space<vmem>> -> memref<64xf32, #tpu.memory_space<vmem>>
      %dma_start3A_516 = arith.constant 0 : i32
      %dma_start3A_517 = tpu.memref_slice %arg6[%dma_start3A_516] : memref<128xf32, #tpu.memory_space<vmem>> -> memref<64xf32, #tpu.memory_space<vmem>>
      tpu.enqueue_dma source(%arg3 : memref<64xf32, #tpu.memory_space<hbm>>) target(%dma_start3A_517 : memref<64xf32, #tpu.memory_space<vmem>>) target_semaphore(%run_scoped3A : memref<!tpu.dma_semaphore, #tpu.memory_space<semaphore_mem>>)
      %dma_wait3A = arith.constant 0 : i32
      %dma_wait3A_518 = tpu.memref_slice %arg6[%dma_wait3A] : memref<128xf32, #tpu.memory_space<vmem>> -> memref<64xf32, #tpu.memory_space<vmem>>
      %dma_wait3A_519 = arith.constant 0 : i32
      %dma_wait3A_520 = tpu.memref_slice %arg6[%dma_wait3A_519] : memref<128xf32, #tpu.memory_space<vmem>> -> memref<64xf32, #tpu.memory_space<vmem>>
      tpu.wait_dma2 semaphore(%run_scoped3A : memref<!tpu.dma_semaphore, #tpu.memory_space<semaphore_mem>>) src(%arg3 : memref<64xf32, #tpu.memory_space<hbm>>) dst(%dma_wait3A_520 : memref<64xf32, #tpu.memory_space<vmem>>)
      tpu.yield
    }) : () -> ()
    %broadcast_in_dim3A = arith.constant 0.000000e+00 : f32
    %broadcast_in_dim3A_1 = vector.broadcast %broadcast_in_dim3A : f32 to vector<16xf32>
    %get3A = arith.constant 0 : index
    %get3A_2 = tpu.vector_load %arg5[%get3A] {strides = array<i32>} : memref<2048xi32, #tpu.memory_space<vmem>>, vector<16xi32>,
    %gather3A = tpu.vector_load_idx %arg6[%get3A_2] : memref<128xf32, #tpu.memory_space<vmem>>[vector<16xi32>], vector<16xf32>,
    %add3A = arith.addf %broadcast_in_dim3A_1, %gather3A : vector<16xf32>
    %get3A_3 = arith.constant 16 : index
    %get3A_4 = tpu.vector_load %arg5[%get3A_3] {strides = array<i32>} : memref<2048xi32, #tpu.memory_space<vmem>>, vector<16xi32>,
    %gather3A_5 = tpu.vector_load_idx %arg6[%get3A_4] : memref<128xf32, #tpu.memory_space<vmem>>[vector<16xi32>], vector<16xf32>,
    %add3A_6 = arith.addf %add3A, %gather3A_5 : vector<16xf32>
    %get3A_7 = arith.constant 32 : index
    %get3A_8 = tpu.vector_load %arg5[%get3A_7] {strides = array<i32>} : memref<2048xi32, #tpu.memory_space<vmem>>, vector<16xi32>,
    %gather3A_9 = tpu.vector_load_idx %arg6[%get3A_8] : memref<128xf32, #tpu.memory_space<vmem>>[vector<16xi32>], vector<16xf32>,
    %add3A_10 = arith.addf %add3A_6, %gather3A_9 : vector<16xf32>
    %get3A_11 = arith.constant 48 : index
    %get3A_12 = tpu.vector_load %arg5[%get3A_11] {strides = array<i32>} : memref<2048xi32, #tpu.memory_space<vmem>>, vector<16xi32>,
    %gather3A_13 = tpu.vector_load_idx %arg6[%get3A_12] : memref<128xf32, #tpu.memory_space<vmem>>[vector<16xi32>], vector<16xf32>,
    %add3A_14 = arith.addf %add3A_10, %gather3A_13 : vector<16xf32>
    %get3A_15 = arith.constant 64 : index
    %get3A_16 = tpu.vector_load %arg5[%get3A_15] {strides = array<i32>} : memref<2048xi32, #tpu.memory_space<vmem>>, vector<16xi32>,
    %gather3A_17 = tpu.vector_load_idx %arg6[%get3A_16] : memref<128xf32, #tpu.memory_space<vmem>>[vector<16xi32>], vector<16xf32>,
    %add3A_18 = arith.addf %add3A_14, %gather3A_17 : vector<16xf32>
    %get3A_19 = arith.constant 80 : index
    %get3A_20 = tpu.vector_load %arg5[%get3A_19] {strides = array<i32>} : memref<2048xi32, #tpu.memory_space<vmem>>, vector<16xi32>,
    %gather3A_21 = tpu.vector_load_idx %arg6[%get3A_20] : memref<128xf32, #tpu.memory_space<vmem>>[vector<16xi32>], vector<16xf32>,
    %add3A_22 = arith.addf %add3A_18, %gather3A_21 : vector<16xf32>
    %get3A_23 = arith.constant 96 : index
    %get3A_24 = tpu.vector_load %arg5[%get3A_23] {strides = array<i32>} : memref<2048xi32, #tpu.memory_space<vmem>>, vector<16xi32>,
    %gather3A_25 = tpu.vector_load_idx %arg6[%get3A_24] : memref<128xf32, #tpu.memory_space<vmem>>[vector<16xi32>], vector<16xf32>,
    %add3A_26 = arith.addf %add3A_22, %gather3A_25 : vector<16xf32>
    %get3A_27 = arith.constant 112 : index
    %get3A_28 = tpu.vector_load %arg5[%get3A_27] {strides = array<i32>} : memref<2048xi32, #tpu.memory_space<vmem>>, vector<16xi32>,
    %gather3A_29 = tpu.vector_load_idx %arg6[%get3A_28] : memref<128xf32, #tpu.memory_space<vmem>>[vector<16xi32>], vector<16xf32>,
    %add3A_30 = arith.addf %add3A_26, %gather3A_29 : vector<16xf32>
    %get3A_31 = arith.constant 128 : index
    %get3A_32 = tpu.vector_load %arg5[%get3A_31] {strides = array<i32>} : memref<2048xi32, #tpu.memory_space<vmem>>, vector<16xi32>,
    %gather3A_33 = tpu.vector_load_idx %arg6[%get3A_32] : memref<128xf32, #tpu.memory_space<vmem>>[vector<16xi32>], vector<16xf32>,
    %add3A_34 = arith.addf %add3A_30, %gather3A_33 : vector<16xf32>
    %get3A_35 = arith.constant 144 : index
    %get3A_36 = tpu.vector_load %arg5[%get3A_35] {strides = array<i32>} : memref<2048xi32, #tpu.memory_space<vmem>>, vector<16xi32>,
    %gather3A_37 = tpu.vector_load_idx %arg6[%get3A_36] : memref<128xf32, #tpu.memory_space<vmem>>[vector<16xi32>], vector<16xf32>,
    %add3A_38 = arith.addf %add3A_34, %gather3A_37 : vector<16xf32>
    %get3A_39 = arith.constant 160 : index
    %get3A_40 = tpu.vector_load %arg5[%get3A_39] {strides = array<i32>} : memref<2048xi32, #tpu.memory_space<vmem>>, vector<16xi32>,
    %gather3A_41 = tpu.vector_load_idx %arg6[%get3A_40] : memref<128xf32, #tpu.memory_space<vmem>>[vector<16xi32>], vector<16xf32>,
    %add3A_42 = arith.addf %add3A_38, %gather3A_41 : vector<16xf32>
    %get3A_43 = arith.constant 176 : index
    %get3A_44 = tpu.vector_load %arg5[%get3A_43] {strides = array<i32>} : memref<2048xi32, #tpu.memory_space<vmem>>, vector<16xi32>,
    %gather3A_45 = tpu.vector_load_idx %arg6[%get3A_44] : memref<128xf32, #tpu.memory_space<vmem>>[vector<16xi32>], vector<16xf32>,
    %add3A_46 = arith.addf %add3A_42, %gather3A_45 : vector<16xf32>
    %get3A_47 = arith.constant 192 : index
    %get3A_48 = tpu.vector_load %arg5[%get3A_47] {strides = array<i32>} : memref<2048xi32, #tpu.memory_space<vmem>>, vector<16xi32>,
    %gather3A_49 = tpu.vector_load_idx %arg6[%get3A_48] : memref<128xf32, #tpu.memory_space<vmem>>[vector<16xi32>], vector<16xf32>,
    %add3A_50 = arith.addf %add3A_46, %gather3A_49 : vector<16xf32>
    %get3A_51 = arith.constant 208 : index
    %get3A_52 = tpu.vector_load %arg5[%get3A_51] {strides = array<i32>} : memref<2048xi32, #tpu.memory_space<vmem>>, vector<16xi32>,
    %gather3A_53 = tpu.vector_load_idx %arg6[%get3A_52] : memref<128xf32, #tpu.memory_space<vmem>>[vector<16xi32>], vector<16xf32>,
    %add3A_54 = arith.addf %add3A_50, %gather3A_53 : vector<16xf32>
    %get3A_55 = arith.constant 224 : index
    %get3A_56 = tpu.vector_load %arg5[%get3A_55] {strides = array<i32>} : memref<2048xi32, #tpu.memory_space<vmem>>, vector<16xi32>,
    %gather3A_57 = tpu.vector_load_idx %arg6[%get3A_56] : memref<128xf32, #tpu.memory_space<vmem>>[vector<16xi32>], vector<16xf32>,
    %add3A_58 = arith.addf %add3A_54, %gather3A_57 : vector<16xf32>
    %get3A_59 = arith.constant 240 : index
    %get3A_60 = tpu.vector_load %arg5[%get3A_59] {strides = array<i32>} : memref<2048xi32, #tpu.memory_space<vmem>>, vector<16xi32>,
    %gather3A_61 = tpu.vector_load_idx %arg6[%get3A_60] : memref<128xf32, #tpu.memory_space<vmem>>[vector<16xi32>], vector<16xf32>,
    %add3A_62 = arith.addf %add3A_58, %gather3A_61 : vector<16xf32>
    %get3A_63 = arith.constant 256 : index
    %get3A_64 = tpu.vector_load %arg5[%get3A_63] {strides = array<i32>} : memref<2048xi32, #tpu.memory_space<vmem>>, vector<16xi32>,
    %gather3A_65 = tpu.vector_load_idx %arg6[%get3A_64] : memref<128xf32, #tpu.memory_space<vmem>>[vector<16xi32>], vector<16xf32>,
    %add3A_66 = arith.addf %add3A_62, %gather3A_65 : vector<16xf32>
    %get3A_67 = arith.constant 272 : index
    %get3A_68 = tpu.vector_load %arg5[%get3A_67] {strides = array<i32>} : memref<2048xi32, #tpu.memory_space<vmem>>, vector<16xi32>,
    %gather3A_69 = tpu.vector_load_idx %arg6[%get3A_68] : memref<128xf32, #tpu.memory_space<vmem>>[vector<16xi32>], vector<16xf32>,
    %add3A_70 = arith.addf %add3A_66, %gather3A_69 : vector<16xf32>
    %get3A_71 = arith.constant 288 : index
    %get3A_72 = tpu.vector_load %arg5[%get3A_71] {strides = array<i32>} : memref<2048xi32, #tpu.memory_space<vmem>>, vector<16xi32>,
    %gather3A_73 = tpu.vector_load_idx %arg6[%get3A_72] : memref<128xf32, #tpu.memory_space<vmem>>[vector<16xi32>], vector<16xf32>,
    %add3A_74 = arith.addf %add3A_70, %gather3A_73 : vector<16xf32>
    %get3A_75 = arith.constant 304 : index
    %get3A_76 = tpu.vector_load %arg5[%get3A_75] {strides = array<i32>} : memref<2048xi32, #tpu.memory_space<vmem>>, vector<16xi32>,
    %gather3A_77 = tpu.vector_load_idx %arg6[%get3A_76] : memref<128xf32, #tpu.memory_space<vmem>>[vector<16xi32>], vector<16xf32>,
    %add3A_78 = arith.addf %add3A_74, %gather3A_77 : vector<16xf32>
    %get3A_79 = arith.constant 320 : index
    %get3A_80 = tpu.vector_load %arg5[%get3A_79] {strides = array<i32>} : memref<2048xi32, #tpu.memory_space<vmem>>, vector<16xi32>,
    %gather3A_81 = tpu.vector_load_idx %arg6[%get3A_80] : memref<128xf32, #tpu.memory_space<vmem>>[vector<16xi32>], vector<16xf32>,
    %add3A_82 = arith.addf %add3A_78, %gather3A_81 : vector<16xf32>
    %get3A_83 = arith.constant 336 : index
    %get3A_84 = tpu.vector_load %arg5[%get3A_83] {strides = array<i32>} : memref<2048xi32, #tpu.memory_space<vmem>>, vector<16xi32>,
    %gather3A_85 = tpu.vector_load_idx %arg6[%get3A_84] : memref<128xf32, #tpu.memory_space<vmem>>[vector<16xi32>], vector<16xf32>,
    %add3A_86 = arith.addf %add3A_82, %gather3A_85 : vector<16xf32>
    %get3A_87 = arith.constant 352 : index
    %get3A_88 = tpu.vector_load %arg5[%get3A_87] {strides = array<i32>} : memref<2048xi32, #tpu.memory_space<vmem>>, vector<16xi32>,
    %gather3A_89 = tpu.vector_load_idx %arg6[%get3A_88] : memref<128xf32, #tpu.memory_space<vmem>>[vector<16xi32>], vector<16xf32>,
    %add3A_90 = arith.addf %add3A_86, %gather3A_89 : vector<16xf32>
    %get3A_91 = arith.constant 368 : index
    %get3A_92 = tpu.vector_load %arg5[%get3A_91] {strides = array<i32>} : memref<2048xi32, #tpu.memory_space<vmem>>, vector<16xi32>,
    %gather3A_93 = tpu.vector_load_idx %arg6[%get3A_92] : memref<128xf32, #tpu.memory_space<vmem>>[vector<16xi32>], vector<16xf32>,
    %add3A_94 = arith.addf %add3A_90, %gather3A_93 : vector<16xf32>
    %get3A_95 = arith.constant 384 : index
    %get3A_96 = tpu.vector_load %arg5[%get3A_95] {strides = array<i32>} : memref<2048xi32, #tpu.memory_space<vmem>>, vector<16xi32>,
    %gather3A_97 = tpu.vector_load_idx %arg6[%get3A_96] : memref<128xf32, #tpu.memory_space<vmem>>[vector<16xi32>], vector<16xf32>,
    %add3A_98 = arith.addf %add3A_94, %gather3A_97 : vector<16xf32>
    %get3A_99 = arith.constant 400 : index
    %get3A_100 = tpu.vector_load %arg5[%get3A_99] {strides = array<i32>} : memref<2048xi32, #tpu.memory_space<vmem>>, vector<16xi32>,
    %gather3A_101 = tpu.vector_load_idx %arg6[%get3A_100] : memref<128xf32, #tpu.memory_space<vmem>>[vector<16xi32>], vector<16xf32>,
    %add3A_102 = arith.addf %add3A_98, %gather3A_101 : vector<16xf32>
    %get3A_103 = arith.constant 416 : index
    %get3A_104 = tpu.vector_load %arg5[%get3A_103] {strides = array<i32>} : memref<2048xi32, #tpu.memory_space<vmem>>, vector<16xi32>,
    %gather3A_105 = tpu.vector_load_idx %arg6[%get3A_104] : memref<128xf32, #tpu.memory_space<vmem>>[vector<16xi32>], vector<16xf32>,
    %add3A_106 = arith.addf %add3A_102, %gather3A_105 : vector<16xf32>
    %get3A_107 = arith.constant 432 : index
    %get3A_108 = tpu.vector_load %arg5[%get3A_107] {strides = array<i32>} : memref<2048xi32, #tpu.memory_space<vmem>>, vector<16xi32>,
    %gather3A_109 = tpu.vector_load_idx %arg6[%get3A_108] : memref<128xf32, #tpu.memory_space<vmem>>[vector<16xi32>], vector<16xf32>,
    %add3A_110 = arith.addf %add3A_106, %gather3A_109 : vector<16xf32>
    %get3A_111 = arith.constant 448 : index
    %get3A_112 = tpu.vector_load %arg5[%get3A_111] {strides = array<i32>} : memref<2048xi32, #tpu.memory_space<vmem>>, vector<16xi32>,
    %gather3A_113 = tpu.vector_load_idx %arg6[%get3A_112] : memref<128xf32, #tpu.memory_space<vmem>>[vector<16xi32>], vector<16xf32>,
    %add3A_114 = arith.addf %add3A_110, %gather3A_113 : vector<16xf32>
    %get3A_115 = arith.constant 464 : index
    %get3A_116 = tpu.vector_load %arg5[%get3A_115] {strides = array<i32>} : memref<2048xi32, #tpu.memory_space<vmem>>, vector<16xi32>,
    %gather3A_117 = tpu.vector_load_idx %arg6[%get3A_116] : memref<128xf32, #tpu.memory_space<vmem>>[vector<16xi32>], vector<16xf32>,
    %add3A_118 = arith.addf %add3A_114, %gather3A_117 : vector<16xf32>
    %get3A_119 = arith.constant 480 : index
    %get3A_120 = tpu.vector_load %arg5[%get3A_119] {strides = array<i32>} : memref<2048xi32, #tpu.memory_space<vmem>>, vector<16xi32>,
    %gather3A_121 = tpu.vector_load_idx %arg6[%get3A_120] : memref<128xf32, #tpu.memory_space<vmem>>[vector<16xi32>], vector<16xf32>,
    %add3A_122 = arith.addf %add3A_118, %gather3A_121 : vector<16xf32>
    %get3A_123 = arith.constant 496 : index
    %get3A_124 = tpu.vector_load %arg5[%get3A_123] {strides = array<i32>} : memref<2048xi32, #tpu.memory_space<vmem>>, vector<16xi32>,
    %gather3A_125 = tpu.vector_load_idx %arg6[%get3A_124] : memref<128xf32, #tpu.memory_space<vmem>>[vector<16xi32>], vector<16xf32>,
    %add3A_126 = arith.addf %add3A_122, %gather3A_125 : vector<16xf32>
    %get3A_127 = arith.constant 512 : index
    %get3A_128 = tpu.vector_load %arg5[%get3A_127] {strides = array<i32>} : memref<2048xi32, #tpu.memory_space<vmem>>, vector<16xi32>,
    %gather3A_129 = tpu.vector_load_idx %arg6[%get3A_128] : memref<128xf32, #tpu.memory_space<vmem>>[vector<16xi32>], vector<16xf32>,
    %add3A_130 = arith.addf %add3A_126, %gather3A_129 : vector<16xf32>
    %get3A_131 = arith.constant 528 : index
    %get3A_132 = tpu.vector_load %arg5[%get3A_131] {strides = array<i32>} : memref<2048xi32, #tpu.memory_space<vmem>>, vector<16xi32>,
    %gather3A_133 = tpu.vector_load_idx %arg6[%get3A_132] : memref<128xf32, #tpu.memory_space<vmem>>[vector<16xi32>], vector<16xf32>,
    %add3A_134 = arith.addf %add3A_130, %gather3A_133 : vector<16xf32>
    %get3A_135 = arith.constant 544 : index
    %get3A_136 = tpu.vector_load %arg5[%get3A_135] {strides = array<i32>} : memref<2048xi32, #tpu.memory_space<vmem>>, vector<16xi32>,
    %gather3A_137 = tpu.vector_load_idx %arg6[%get3A_136] : memref<128xf32, #tpu.memory_space<vmem>>[vector<16xi32>], vector<16xf32>,
    %add3A_138 = arith.addf %add3A_134, %gather3A_137 : vector<16xf32>
    %get3A_139 = arith.constant 560 : index
    %get3A_140 = tpu.vector_load %arg5[%get3A_139] {strides = array<i32>} : memref<2048xi32, #tpu.memory_space<vmem>>, vector<16xi32>,
    %gather3A_141 = tpu.vector_load_idx %arg6[%get3A_140] : memref<128xf32, #tpu.memory_space<vmem>>[vector<16xi32>], vector<16xf32>,
    %add3A_142 = arith.addf %add3A_138, %gather3A_141 : vector<16xf32>
    %get3A_143 = arith.constant 576 : index
    %get3A_144 = tpu.vector_load %arg5[%get3A_143] {strides = array<i32>} : memref<2048xi32, #tpu.memory_space<vmem>>, vector<16xi32>,
    %gather3A_145 = tpu.vector_load_idx %arg6[%get3A_144] : memref<128xf32, #tpu.memory_space<vmem>>[vector<16xi32>], vector<16xf32>,
    %add3A_146 = arith.addf %add3A_142, %gather3A_145 : vector<16xf32>
    %get3A_147 = arith.constant 592 : index
    %get3A_148 = tpu.vector_load %arg5[%get3A_147] {strides = array<i32>} : memref<2048xi32, #tpu.memory_space<vmem>>, vector<16xi32>,
    %gather3A_149 = tpu.vector_load_idx %arg6[%get3A_148] : memref<128xf32, #tpu.memory_space<vmem>>[vector<16xi32>], vector<16xf32>,
    %add3A_150 = arith.addf %add3A_146, %gather3A_149 : vector<16xf32>
    %get3A_151 = arith.constant 608 : index
    %get3A_152 = tpu.vector_load %arg5[%get3A_151] {strides = array<i32>} : memref<2048xi32, #tpu.memory_space<vmem>>, vector<16xi32>,
    %gather3A_153 = tpu.vector_load_idx %arg6[%get3A_152] : memref<128xf32, #tpu.memory_space<vmem>>[vector<16xi32>], vector<16xf32>,
    %add3A_154 = arith.addf %add3A_150, %gather3A_153 : vector<16xf32>
    %get3A_155 = arith.constant 624 : index
    %get3A_156 = tpu.vector_load %arg5[%get3A_155] {strides = array<i32>} : memref<2048xi32, #tpu.memory_space<vmem>>, vector<16xi32>,
    %gather3A_157 = tpu.vector_load_idx %arg6[%get3A_156] : memref<128xf32, #tpu.memory_space<vmem>>[vector<16xi32>], vector<16xf32>,
    %add3A_158 = arith.addf %add3A_154, %gather3A_157 : vector<16xf32>
    %get3A_159 = arith.constant 640 : index
    %get3A_160 = tpu.vector_load %arg5[%get3A_159] {strides = array<i32>} : memref<2048xi32, #tpu.memory_space<vmem>>, vector<16xi32>,
    %gather3A_161 = tpu.vector_load_idx %arg6[%get3A_160] : memref<128xf32, #tpu.memory_space<vmem>>[vector<16xi32>], vector<16xf32>,
    %add3A_162 = arith.addf %add3A_158, %gather3A_161 : vector<16xf32>
    %get3A_163 = arith.constant 656 : index
    %get3A_164 = tpu.vector_load %arg5[%get3A_163] {strides = array<i32>} : memref<2048xi32, #tpu.memory_space<vmem>>, vector<16xi32>,
    %gather3A_165 = tpu.vector_load_idx %arg6[%get3A_164] : memref<128xf32, #tpu.memory_space<vmem>>[vector<16xi32>], vector<16xf32>,
    %add3A_166 = arith.addf %add3A_162, %gather3A_165 : vector<16xf32>
    %get3A_167 = arith.constant 672 : index
    %get3A_168 = tpu.vector_load %arg5[%get3A_167] {strides = array<i32>} : memref<2048xi32, #tpu.memory_space<vmem>>, vector<16xi32>,
    %gather3A_169 = tpu.vector_load_idx %arg6[%get3A_168] : memref<128xf32, #tpu.memory_space<vmem>>[vector<16xi32>], vector<16xf32>,
    %add3A_170 = arith.addf %add3A_166, %gather3A_169 : vector<16xf32>
    %get3A_171 = arith.constant 688 : index
    %get3A_172 = tpu.vector_load %arg5[%get3A_171] {strides = array<i32>} : memref<2048xi32, #tpu.memory_space<vmem>>, vector<16xi32>,
    %gather3A_173 = tpu.vector_load_idx %arg6[%get3A_172] : memref<128xf32, #tpu.memory_space<vmem>>[vector<16xi32>], vector<16xf32>,
    %add3A_174 = arith.addf %add3A_170, %gather3A_173 : vector<16xf32>
    %get3A_175 = arith.constant 704 : index
    %get3A_176 = tpu.vector_load %arg5[%get3A_175] {strides = array<i32>} : memref<2048xi32, #tpu.memory_space<vmem>>, vector<16xi32>,
    %gather3A_177 = tpu.vector_load_idx %arg6[%get3A_176] : memref<128xf32, #tpu.memory_space<vmem>>[vector<16xi32>], vector<16xf32>,
    %add3A_178 = arith.addf %add3A_174, %gather3A_177 : vector<16xf32>
    %get3A_179 = arith.constant 720 : index
    %get3A_180 = tpu.vector_load %arg5[%get3A_179] {strides = array<i32>} : memref<2048xi32, #tpu.memory_space<vmem>>, vector<16xi32>,
    %gather3A_181 = tpu.vector_load_idx %arg6[%get3A_180] : memref<128xf32, #tpu.memory_space<vmem>>[vector<16xi32>], vector<16xf32>,
    %add3A_182 = arith.addf %add3A_178, %gather3A_181 : vector<16xf32>
    %get3A_183 = arith.constant 736 : index
    %get3A_184 = tpu.vector_load %arg5[%get3A_183] {strides = array<i32>} : memref<2048xi32, #tpu.memory_space<vmem>>, vector<16xi32>,
    %gather3A_185 = tpu.vector_load_idx %arg6[%get3A_184] : memref<128xf32, #tpu.memory_space<vmem>>[vector<16xi32>], vector<16xf32>,
    %add3A_186 = arith.addf %add3A_182, %gather3A_185 : vector<16xf32>
    %get3A_187 = arith.constant 752 : index
    %get3A_188 = tpu.vector_load %arg5[%get3A_187] {strides = array<i32>} : memref<2048xi32, #tpu.memory_space<vmem>>, vector<16xi32>,
    %gather3A_189 = tpu.vector_load_idx %arg6[%get3A_188] : memref<128xf32, #tpu.memory_space<vmem>>[vector<16xi32>], vector<16xf32>,
    %add3A_190 = arith.addf %add3A_186, %gather3A_189 : vector<16xf32>
    %get3A_191 = arith.constant 768 : index
    %get3A_192 = tpu.vector_load %arg5[%get3A_191] {strides = array<i32>} : memref<2048xi32, #tpu.memory_space<vmem>>, vector<16xi32>,
    %gather3A_193 = tpu.vector_load_idx %arg6[%get3A_192] : memref<128xf32, #tpu.memory_space<vmem>>[vector<16xi32>], vector<16xf32>,
    %add3A_194 = arith.addf %add3A_190, %gather3A_193 : vector<16xf32>
    %get3A_195 = arith.constant 784 : index
    %get3A_196 = tpu.vector_load %arg5[%get3A_195] {strides = array<i32>} : memref<2048xi32, #tpu.memory_space<vmem>>, vector<16xi32>,
    %gather3A_197 = tpu.vector_load_idx %arg6[%get3A_196] : memref<128xf32, #tpu.memory_space<vmem>>[vector<16xi32>], vector<16xf32>,
    %add3A_198 = arith.addf %add3A_194, %gather3A_197 : vector<16xf32>
    %get3A_199 = arith.constant 800 : index
    %get3A_200 = tpu.vector_load %arg5[%get3A_199] {strides = array<i32>} : memref<2048xi32, #tpu.memory_space<vmem>>, vector<16xi32>,
    %gather3A_201 = tpu.vector_load_idx %arg6[%get3A_200] : memref<128xf32, #tpu.memory_space<vmem>>[vector<16xi32>], vector<16xf32>,
    %add3A_202 = arith.addf %add3A_198, %gather3A_201 : vector<16xf32>
    %get3A_203 = arith.constant 816 : index
    %get3A_204 = tpu.vector_load %arg5[%get3A_203] {strides = array<i32>} : memref<2048xi32, #tpu.memory_space<vmem>>, vector<16xi32>,
    %gather3A_205 = tpu.vector_load_idx %arg6[%get3A_204] : memref<128xf32, #tpu.memory_space<vmem>>[vector<16xi32>], vector<16xf32>,
    %add3A_206 = arith.addf %add3A_202, %gather3A_205 : vector<16xf32>
    %get3A_207 = arith.constant 832 : index
    %get3A_208 = tpu.vector_load %arg5[%get3A_207] {strides = array<i32>} : memref<2048xi32, #tpu.memory_space<vmem>>, vector<16xi32>,
    %gather3A_209 = tpu.vector_load_idx %arg6[%get3A_208] : memref<128xf32, #tpu.memory_space<vmem>>[vector<16xi32>], vector<16xf32>,
    %add3A_210 = arith.addf %add3A_206, %gather3A_209 : vector<16xf32>
    %get3A_211 = arith.constant 848 : index
    %get3A_212 = tpu.vector_load %arg5[%get3A_211] {strides = array<i32>} : memref<2048xi32, #tpu.memory_space<vmem>>, vector<16xi32>,
    %gather3A_213 = tpu.vector_load_idx %arg6[%get3A_212] : memref<128xf32, #tpu.memory_space<vmem>>[vector<16xi32>], vector<16xf32>,
    %add3A_214 = arith.addf %add3A_210, %gather3A_213 : vector<16xf32>
    %get3A_215 = arith.constant 864 : index
    %get3A_216 = tpu.vector_load %arg5[%get3A_215] {strides = array<i32>} : memref<2048xi32, #tpu.memory_space<vmem>>, vector<16xi32>,
    %gather3A_217 = tpu.vector_load_idx %arg6[%get3A_216] : memref<128xf32, #tpu.memory_space<vmem>>[vector<16xi32>], vector<16xf32>,
    %add3A_218 = arith.addf %add3A_214, %gather3A_217 : vector<16xf32>
    %get3A_219 = arith.constant 880 : index
    %get3A_220 = tpu.vector_load %arg5[%get3A_219] {strides = array<i32>} : memref<2048xi32, #tpu.memory_space<vmem>>, vector<16xi32>,
    %gather3A_221 = tpu.vector_load_idx %arg6[%get3A_220] : memref<128xf32, #tpu.memory_space<vmem>>[vector<16xi32>], vector<16xf32>,
    %add3A_222 = arith.addf %add3A_218, %gather3A_221 : vector<16xf32>
    %get3A_223 = arith.constant 896 : index
    %get3A_224 = tpu.vector_load %arg5[%get3A_223] {strides = array<i32>} : memref<2048xi32, #tpu.memory_space<vmem>>, vector<16xi32>,
    %gather3A_225 = tpu.vector_load_idx %arg6[%get3A_224] : memref<128xf32, #tpu.memory_space<vmem>>[vector<16xi32>], vector<16xf32>,
    %add3A_226 = arith.addf %add3A_222, %gather3A_225 : vector<16xf32>
    %get3A_227 = arith.constant 912 : index
    %get3A_228 = tpu.vector_load %arg5[%get3A_227] {strides = array<i32>} : memref<2048xi32, #tpu.memory_space<vmem>>, vector<16xi32>,
    %gather3A_229 = tpu.vector_load_idx %arg6[%get3A_228] : memref<128xf32, #tpu.memory_space<vmem>>[vector<16xi32>], vector<16xf32>,
    %add3A_230 = arith.addf %add3A_226, %gather3A_229 : vector<16xf32>
    %get3A_231 = arith.constant 928 : index
    %get3A_232 = tpu.vector_load %arg5[%get3A_231] {strides = array<i32>} : memref<2048xi32, #tpu.memory_space<vmem>>, vector<16xi32>,
    %gather3A_233 = tpu.vector_load_idx %arg6[%get3A_232] : memref<128xf32, #tpu.memory_space<vmem>>[vector<16xi32>], vector<16xf32>,
    %add3A_234 = arith.addf %add3A_230, %gather3A_233 : vector<16xf32>
    %get3A_235 = arith.constant 944 : index
    %get3A_236 = tpu.vector_load %arg5[%get3A_235] {strides = array<i32>} : memref<2048xi32, #tpu.memory_space<vmem>>, vector<16xi32>,
    %gather3A_237 = tpu.vector_load_idx %arg6[%get3A_236] : memref<128xf32, #tpu.memory_space<vmem>>[vector<16xi32>], vector<16xf32>,
    %add3A_238 = arith.addf %add3A_234, %gather3A_237 : vector<16xf32>
    %get3A_239 = arith.constant 960 : index
    %get3A_240 = tpu.vector_load %arg5[%get3A_239] {strides = array<i32>} : memref<2048xi32, #tpu.memory_space<vmem>>, vector<16xi32>,
    %gather3A_241 = tpu.vector_load_idx %arg6[%get3A_240] : memref<128xf32, #tpu.memory_space<vmem>>[vector<16xi32>], vector<16xf32>,
    %add3A_242 = arith.addf %add3A_238, %gather3A_241 : vector<16xf32>
    %get3A_243 = arith.constant 976 : index
    %get3A_244 = tpu.vector_load %arg5[%get3A_243] {strides = array<i32>} : memref<2048xi32, #tpu.memory_space<vmem>>, vector<16xi32>,
    %gather3A_245 = tpu.vector_load_idx %arg6[%get3A_244] : memref<128xf32, #tpu.memory_space<vmem>>[vector<16xi32>], vector<16xf32>,
    %add3A_246 = arith.addf %add3A_242, %gather3A_245 : vector<16xf32>
    %get3A_247 = arith.constant 992 : index
    %get3A_248 = tpu.vector_load %arg5[%get3A_247] {strides = array<i32>} : memref<2048xi32, #tpu.memory_space<vmem>>, vector<16xi32>,
    %gather3A_249 = tpu.vector_load_idx %arg6[%get3A_248] : memref<128xf32, #tpu.memory_space<vmem>>[vector<16xi32>], vector<16xf32>,
    %add3A_250 = arith.addf %add3A_246, %gather3A_249 : vector<16xf32>
    %get3A_251 = arith.constant 1008 : index
    %get3A_252 = tpu.vector_load %arg5[%get3A_251] {strides = array<i32>} : memref<2048xi32, #tpu.memory_space<vmem>>, vector<16xi32>,
    %gather3A_253 = tpu.vector_load_idx %arg6[%get3A_252] : memref<128xf32, #tpu.memory_space<vmem>>[vector<16xi32>], vector<16xf32>,
    %add3A_254 = arith.addf %add3A_250, %gather3A_253 : vector<16xf32>
    %get3A_255 = arith.constant 1024 : index
    %get3A_256 = tpu.vector_load %arg5[%get3A_255] {strides = array<i32>} : memref<2048xi32, #tpu.memory_space<vmem>>, vector<16xi32>,
    %gather3A_257 = tpu.vector_load_idx %arg6[%get3A_256] : memref<128xf32, #tpu.memory_space<vmem>>[vector<16xi32>], vector<16xf32>,
    %add3A_258 = arith.addf %add3A_254, %gather3A_257 : vector<16xf32>
    %get3A_259 = arith.constant 1040 : index
    %get3A_260 = tpu.vector_load %arg5[%get3A_259] {strides = array<i32>} : memref<2048xi32, #tpu.memory_space<vmem>>, vector<16xi32>,
    %gather3A_261 = tpu.vector_load_idx %arg6[%get3A_260] : memref<128xf32, #tpu.memory_space<vmem>>[vector<16xi32>], vector<16xf32>,
    %add3A_262 = arith.addf %add3A_258, %gather3A_261 : vector<16xf32>
    %get3A_263 = arith.constant 1056 : index
    %get3A_264 = tpu.vector_load %arg5[%get3A_263] {strides = array<i32>} : memref<2048xi32, #tpu.memory_space<vmem>>, vector<16xi32>,
    %gather3A_265 = tpu.vector_load_idx %arg6[%get3A_264] : memref<128xf32, #tpu.memory_space<vmem>>[vector<16xi32>], vector<16xf32>,
    %add3A_266 = arith.addf %add3A_262, %gather3A_265 : vector<16xf32>
    %get3A_267 = arith.constant 1072 : index
    %get3A_268 = tpu.vector_load %arg5[%get3A_267] {strides = array<i32>} : memref<2048xi32, #tpu.memory_space<vmem>>, vector<16xi32>,
    %gather3A_269 = tpu.vector_load_idx %arg6[%get3A_268] : memref<128xf32, #tpu.memory_space<vmem>>[vector<16xi32>], vector<16xf32>,
    %add3A_270 = arith.addf %add3A_266, %gather3A_269 : vector<16xf32>
    %get3A_271 = arith.constant 1088 : index
    %get3A_272 = tpu.vector_load %arg5[%get3A_271] {strides = array<i32>} : memref<2048xi32, #tpu.memory_space<vmem>>, vector<16xi32>,
    %gather3A_273 = tpu.vector_load_idx %arg6[%get3A_272] : memref<128xf32, #tpu.memory_space<vmem>>[vector<16xi32>], vector<16xf32>,
    %add3A_274 = arith.addf %add3A_270, %gather3A_273 : vector<16xf32>
    %get3A_275 = arith.constant 1104 : index
    %get3A_276 = tpu.vector_load %arg5[%get3A_275] {strides = array<i32>} : memref<2048xi32, #tpu.memory_space<vmem>>, vector<16xi32>,
    %gather3A_277 = tpu.vector_load_idx %arg6[%get3A_276] : memref<128xf32, #tpu.memory_space<vmem>>[vector<16xi32>], vector<16xf32>,
    %add3A_278 = arith.addf %add3A_274, %gather3A_277 : vector<16xf32>
    %get3A_279 = arith.constant 1120 : index
    %get3A_280 = tpu.vector_load %arg5[%get3A_279] {strides = array<i32>} : memref<2048xi32, #tpu.memory_space<vmem>>, vector<16xi32>,
    %gather3A_281 = tpu.vector_load_idx %arg6[%get3A_280] : memref<128xf32, #tpu.memory_space<vmem>>[vector<16xi32>], vector<16xf32>,
    %add3A_282 = arith.addf %add3A_278, %gather3A_281 : vector<16xf32>
    %get3A_283 = arith.constant 1136 : index
    %get3A_284 = tpu.vector_load %arg5[%get3A_283] {strides = array<i32>} : memref<2048xi32, #tpu.memory_space<vmem>>, vector<16xi32>,
    %gather3A_285 = tpu.vector_load_idx %arg6[%get3A_284] : memref<128xf32, #tpu.memory_space<vmem>>[vector<16xi32>], vector<16xf32>,
    %add3A_286 = arith.addf %add3A_282, %gather3A_285 : vector<16xf32>
    %get3A_287 = arith.constant 1152 : index
    %get3A_288 = tpu.vector_load %arg5[%get3A_287] {strides = array<i32>} : memref<2048xi32, #tpu.memory_space<vmem>>, vector<16xi32>,
    %gather3A_289 = tpu.vector_load_idx %arg6[%get3A_288] : memref<128xf32, #tpu.memory_space<vmem>>[vector<16xi32>], vector<16xf32>,
    %add3A_290 = arith.addf %add3A_286, %gather3A_289 : vector<16xf32>
    %get3A_291 = arith.constant 1168 : index
    %get3A_292 = tpu.vector_load %arg5[%get3A_291] {strides = array<i32>} : memref<2048xi32, #tpu.memory_space<vmem>>, vector<16xi32>,
    %gather3A_293 = tpu.vector_load_idx %arg6[%get3A_292] : memref<128xf32, #tpu.memory_space<vmem>>[vector<16xi32>], vector<16xf32>,
    %add3A_294 = arith.addf %add3A_290, %gather3A_293 : vector<16xf32>
    %get3A_295 = arith.constant 1184 : index
    %get3A_296 = tpu.vector_load %arg5[%get3A_295] {strides = array<i32>} : memref<2048xi32, #tpu.memory_space<vmem>>, vector<16xi32>,
    %gather3A_297 = tpu.vector_load_idx %arg6[%get3A_296] : memref<128xf32, #tpu.memory_space<vmem>>[vector<16xi32>], vector<16xf32>,
    %add3A_298 = arith.addf %add3A_294, %gather3A_297 : vector<16xf32>
    %get3A_299 = arith.constant 1200 : index
    %get3A_300 = tpu.vector_load %arg5[%get3A_299] {strides = array<i32>} : memref<2048xi32, #tpu.memory_space<vmem>>, vector<16xi32>,
    %gather3A_301 = tpu.vector_load_idx %arg6[%get3A_300] : memref<128xf32, #tpu.memory_space<vmem>>[vector<16xi32>], vector<16xf32>,
    %add3A_302 = arith.addf %add3A_298, %gather3A_301 : vector<16xf32>
    %get3A_303 = arith.constant 1216 : index
    %get3A_304 = tpu.vector_load %arg5[%get3A_303] {strides = array<i32>} : memref<2048xi32, #tpu.memory_space<vmem>>, vector<16xi32>,
    %gather3A_305 = tpu.vector_load_idx %arg6[%get3A_304] : memref<128xf32, #tpu.memory_space<vmem>>[vector<16xi32>], vector<16xf32>,
    %add3A_306 = arith.addf %add3A_302, %gather3A_305 : vector<16xf32>
    %get3A_307 = arith.constant 1232 : index
    %get3A_308 = tpu.vector_load %arg5[%get3A_307] {strides = array<i32>} : memref<2048xi32, #tpu.memory_space<vmem>>, vector<16xi32>,
    %gather3A_309 = tpu.vector_load_idx %arg6[%get3A_308] : memref<128xf32, #tpu.memory_space<vmem>>[vector<16xi32>], vector<16xf32>,
    %add3A_310 = arith.addf %add3A_306, %gather3A_309 : vector<16xf32>
    %get3A_311 = arith.constant 1248 : index
    %get3A_312 = tpu.vector_load %arg5[%get3A_311] {strides = array<i32>} : memref<2048xi32, #tpu.memory_space<vmem>>, vector<16xi32>,
    %gather3A_313 = tpu.vector_load_idx %arg6[%get3A_312] : memref<128xf32, #tpu.memory_space<vmem>>[vector<16xi32>], vector<16xf32>,
    %add3A_314 = arith.addf %add3A_310, %gather3A_313 : vector<16xf32>
    %get3A_315 = arith.constant 1264 : index
    %get3A_316 = tpu.vector_load %arg5[%get3A_315] {strides = array<i32>} : memref<2048xi32, #tpu.memory_space<vmem>>, vector<16xi32>,
    %gather3A_317 = tpu.vector_load_idx %arg6[%get3A_316] : memref<128xf32, #tpu.memory_space<vmem>>[vector<16xi32>], vector<16xf32>,
    %add3A_318 = arith.addf %add3A_314, %gather3A_317 : vector<16xf32>
    %get3A_319 = arith.constant 1280 : index
    %get3A_320 = tpu.vector_load %arg5[%get3A_319] {strides = array<i32>} : memref<2048xi32, #tpu.memory_space<vmem>>, vector<16xi32>,
    %gather3A_321 = tpu.vector_load_idx %arg6[%get3A_320] : memref<128xf32, #tpu.memory_space<vmem>>[vector<16xi32>], vector<16xf32>,
    %add3A_322 = arith.addf %add3A_318, %gather3A_321 : vector<16xf32>
    %get3A_323 = arith.constant 1296 : index
    %get3A_324 = tpu.vector_load %arg5[%get3A_323] {strides = array<i32>} : memref<2048xi32, #tpu.memory_space<vmem>>, vector<16xi32>,
    %gather3A_325 = tpu.vector_load_idx %arg6[%get3A_324] : memref<128xf32, #tpu.memory_space<vmem>>[vector<16xi32>], vector<16xf32>,
    %add3A_326 = arith.addf %add3A_322, %gather3A_325 : vector<16xf32>
    %get3A_327 = arith.constant 1312 : index
    %get3A_328 = tpu.vector_load %arg5[%get3A_327] {strides = array<i32>} : memref<2048xi32, #tpu.memory_space<vmem>>, vector<16xi32>,
    %gather3A_329 = tpu.vector_load_idx %arg6[%get3A_328] : memref<128xf32, #tpu.memory_space<vmem>>[vector<16xi32>], vector<16xf32>,
    %add3A_330 = arith.addf %add3A_326, %gather3A_329 : vector<16xf32>
    %get3A_331 = arith.constant 1328 : index
    %get3A_332 = tpu.vector_load %arg5[%get3A_331] {strides = array<i32>} : memref<2048xi32, #tpu.memory_space<vmem>>, vector<16xi32>,
    %gather3A_333 = tpu.vector_load_idx %arg6[%get3A_332] : memref<128xf32, #tpu.memory_space<vmem>>[vector<16xi32>], vector<16xf32>,
    %add3A_334 = arith.addf %add3A_330, %gather3A_333 : vector<16xf32>
    %get3A_335 = arith.constant 1344 : index
    %get3A_336 = tpu.vector_load %arg5[%get3A_335] {strides = array<i32>} : memref<2048xi32, #tpu.memory_space<vmem>>, vector<16xi32>,
    %gather3A_337 = tpu.vector_load_idx %arg6[%get3A_336] : memref<128xf32, #tpu.memory_space<vmem>>[vector<16xi32>], vector<16xf32>,
    %add3A_338 = arith.addf %add3A_334, %gather3A_337 : vector<16xf32>
    %get3A_339 = arith.constant 1360 : index
    %get3A_340 = tpu.vector_load %arg5[%get3A_339] {strides = array<i32>} : memref<2048xi32, #tpu.memory_space<vmem>>, vector<16xi32>,
    %gather3A_341 = tpu.vector_load_idx %arg6[%get3A_340] : memref<128xf32, #tpu.memory_space<vmem>>[vector<16xi32>], vector<16xf32>,
    %add3A_342 = arith.addf %add3A_338, %gather3A_341 : vector<16xf32>
    %get3A_343 = arith.constant 1376 : index
    %get3A_344 = tpu.vector_load %arg5[%get3A_343] {strides = array<i32>} : memref<2048xi32, #tpu.memory_space<vmem>>, vector<16xi32>,
    %gather3A_345 = tpu.vector_load_idx %arg6[%get3A_344] : memref<128xf32, #tpu.memory_space<vmem>>[vector<16xi32>], vector<16xf32>,
    %add3A_346 = arith.addf %add3A_342, %gather3A_345 : vector<16xf32>
    %get3A_347 = arith.constant 1392 : index
    %get3A_348 = tpu.vector_load %arg5[%get3A_347] {strides = array<i32>} : memref<2048xi32, #tpu.memory_space<vmem>>, vector<16xi32>,
    %gather3A_349 = tpu.vector_load_idx %arg6[%get3A_348] : memref<128xf32, #tpu.memory_space<vmem>>[vector<16xi32>], vector<16xf32>,
    %add3A_350 = arith.addf %add3A_346, %gather3A_349 : vector<16xf32>
    %get3A_351 = arith.constant 1408 : index
    %get3A_352 = tpu.vector_load %arg5[%get3A_351] {strides = array<i32>} : memref<2048xi32, #tpu.memory_space<vmem>>, vector<16xi32>,
    %gather3A_353 = tpu.vector_load_idx %arg6[%get3A_352] : memref<128xf32, #tpu.memory_space<vmem>>[vector<16xi32>], vector<16xf32>,
    %add3A_354 = arith.addf %add3A_350, %gather3A_353 : vector<16xf32>
    %get3A_355 = arith.constant 1424 : index
    %get3A_356 = tpu.vector_load %arg5[%get3A_355] {strides = array<i32>} : memref<2048xi32, #tpu.memory_space<vmem>>, vector<16xi32>,
    %gather3A_357 = tpu.vector_load_idx %arg6[%get3A_356] : memref<128xf32, #tpu.memory_space<vmem>>[vector<16xi32>], vector<16xf32>,
    %add3A_358 = arith.addf %add3A_354, %gather3A_357 : vector<16xf32>
    %get3A_359 = arith.constant 1440 : index
    %get3A_360 = tpu.vector_load %arg5[%get3A_359] {strides = array<i32>} : memref<2048xi32, #tpu.memory_space<vmem>>, vector<16xi32>,
    %gather3A_361 = tpu.vector_load_idx %arg6[%get3A_360] : memref<128xf32, #tpu.memory_space<vmem>>[vector<16xi32>], vector<16xf32>,
    %add3A_362 = arith.addf %add3A_358, %gather3A_361 : vector<16xf32>
    %get3A_363 = arith.constant 1456 : index
    %get3A_364 = tpu.vector_load %arg5[%get3A_363] {strides = array<i32>} : memref<2048xi32, #tpu.memory_space<vmem>>, vector<16xi32>,
    %gather3A_365 = tpu.vector_load_idx %arg6[%get3A_364] : memref<128xf32, #tpu.memory_space<vmem>>[vector<16xi32>], vector<16xf32>,
    %add3A_366 = arith.addf %add3A_362, %gather3A_365 : vector<16xf32>
    %get3A_367 = arith.constant 1472 : index
    %get3A_368 = tpu.vector_load %arg5[%get3A_367] {strides = array<i32>} : memref<2048xi32, #tpu.memory_space<vmem>>, vector<16xi32>,
    %gather3A_369 = tpu.vector_load_idx %arg6[%get3A_368] : memref<128xf32, #tpu.memory_space<vmem>>[vector<16xi32>], vector<16xf32>,
    %add3A_370 = arith.addf %add3A_366, %gather3A_369 : vector<16xf32>
    %get3A_371 = arith.constant 1488 : index
    %get3A_372 = tpu.vector_load %arg5[%get3A_371] {strides = array<i32>} : memref<2048xi32, #tpu.memory_space<vmem>>, vector<16xi32>,
    %gather3A_373 = tpu.vector_load_idx %arg6[%get3A_372] : memref<128xf32, #tpu.memory_space<vmem>>[vector<16xi32>], vector<16xf32>,
    %add3A_374 = arith.addf %add3A_370, %gather3A_373 : vector<16xf32>
    %get3A_375 = arith.constant 1504 : index
    %get3A_376 = tpu.vector_load %arg5[%get3A_375] {strides = array<i32>} : memref<2048xi32, #tpu.memory_space<vmem>>, vector<16xi32>,
    %gather3A_377 = tpu.vector_load_idx %arg6[%get3A_376] : memref<128xf32, #tpu.memory_space<vmem>>[vector<16xi32>], vector<16xf32>,
    %add3A_378 = arith.addf %add3A_374, %gather3A_377 : vector<16xf32>
    %get3A_379 = arith.constant 1520 : index
    %get3A_380 = tpu.vector_load %arg5[%get3A_379] {strides = array<i32>} : memref<2048xi32, #tpu.memory_space<vmem>>, vector<16xi32>,
    %gather3A_381 = tpu.vector_load_idx %arg6[%get3A_380] : memref<128xf32, #tpu.memory_space<vmem>>[vector<16xi32>], vector<16xf32>,
    %add3A_382 = arith.addf %add3A_378, %gather3A_381 : vector<16xf32>
    %get3A_383 = arith.constant 1536 : index
    %get3A_384 = tpu.vector_load %arg5[%get3A_383] {strides = array<i32>} : memref<2048xi32, #tpu.memory_space<vmem>>, vector<16xi32>,
    %gather3A_385 = tpu.vector_load_idx %arg6[%get3A_384] : memref<128xf32, #tpu.memory_space<vmem>>[vector<16xi32>], vector<16xf32>,
    %add3A_386 = arith.addf %add3A_382, %gather3A_385 : vector<16xf32>
    %get3A_387 = arith.constant 1552 : index
    %get3A_388 = tpu.vector_load %arg5[%get3A_387] {strides = array<i32>} : memref<2048xi32, #tpu.memory_space<vmem>>, vector<16xi32>,
    %gather3A_389 = tpu.vector_load_idx %arg6[%get3A_388] : memref<128xf32, #tpu.memory_space<vmem>>[vector<16xi32>], vector<16xf32>,
    %add3A_390 = arith.addf %add3A_386, %gather3A_389 : vector<16xf32>
    %get3A_391 = arith.constant 1568 : index
    %get3A_392 = tpu.vector_load %arg5[%get3A_391] {strides = array<i32>} : memref<2048xi32, #tpu.memory_space<vmem>>, vector<16xi32>,
    %gather3A_393 = tpu.vector_load_idx %arg6[%get3A_392] : memref<128xf32, #tpu.memory_space<vmem>>[vector<16xi32>], vector<16xf32>,
    %add3A_394 = arith.addf %add3A_390, %gather3A_393 : vector<16xf32>
    %get3A_395 = arith.constant 1584 : index
    %get3A_396 = tpu.vector_load %arg5[%get3A_395] {strides = array<i32>} : memref<2048xi32, #tpu.memory_space<vmem>>, vector<16xi32>,
    %gather3A_397 = tpu.vector_load_idx %arg6[%get3A_396] : memref<128xf32, #tpu.memory_space<vmem>>[vector<16xi32>], vector<16xf32>,
    %add3A_398 = arith.addf %add3A_394, %gather3A_397 : vector<16xf32>
    %get3A_399 = arith.constant 1600 : index
    %get3A_400 = tpu.vector_load %arg5[%get3A_399] {strides = array<i32>} : memref<2048xi32, #tpu.memory_space<vmem>>, vector<16xi32>,
    %gather3A_401 = tpu.vector_load_idx %arg6[%get3A_400] : memref<128xf32, #tpu.memory_space<vmem>>[vector<16xi32>], vector<16xf32>,
    %add3A_402 = arith.addf %add3A_398, %gather3A_401 : vector<16xf32>
    %get3A_403 = arith.constant 1616 : index
    %get3A_404 = tpu.vector_load %arg5[%get3A_403] {strides = array<i32>} : memref<2048xi32, #tpu.memory_space<vmem>>, vector<16xi32>,
    %gather3A_405 = tpu.vector_load_idx %arg6[%get3A_404] : memref<128xf32, #tpu.memory_space<vmem>>[vector<16xi32>], vector<16xf32>,
    %add3A_406 = arith.addf %add3A_402, %gather3A_405 : vector<16xf32>
    %get3A_407 = arith.constant 1632 : index
    %get3A_408 = tpu.vector_load %arg5[%get3A_407] {strides = array<i32>} : memref<2048xi32, #tpu.memory_space<vmem>>, vector<16xi32>,
    %gather3A_409 = tpu.vector_load_idx %arg6[%get3A_408] : memref<128xf32, #tpu.memory_space<vmem>>[vector<16xi32>], vector<16xf32>,
    %add3A_410 = arith.addf %add3A_406, %gather3A_409 : vector<16xf32>
    %get3A_411 = arith.constant 1648 : index
    %get3A_412 = tpu.vector_load %arg5[%get3A_411] {strides = array<i32>} : memref<2048xi32, #tpu.memory_space<vmem>>, vector<16xi32>,
    %gather3A_413 = tpu.vector_load_idx %arg6[%get3A_412] : memref<128xf32, #tpu.memory_space<vmem>>[vector<16xi32>], vector<16xf32>,
    %add3A_414 = arith.addf %add3A_410, %gather3A_413 : vector<16xf32>
    %get3A_415 = arith.constant 1664 : index
    %get3A_416 = tpu.vector_load %arg5[%get3A_415] {strides = array<i32>} : memref<2048xi32, #tpu.memory_space<vmem>>, vector<16xi32>,
    %gather3A_417 = tpu.vector_load_idx %arg6[%get3A_416] : memref<128xf32, #tpu.memory_space<vmem>>[vector<16xi32>], vector<16xf32>,
    %add3A_418 = arith.addf %add3A_414, %gather3A_417 : vector<16xf32>
    %get3A_419 = arith.constant 1680 : index
    %get3A_420 = tpu.vector_load %arg5[%get3A_419] {strides = array<i32>} : memref<2048xi32, #tpu.memory_space<vmem>>, vector<16xi32>,
    %gather3A_421 = tpu.vector_load_idx %arg6[%get3A_420] : memref<128xf32, #tpu.memory_space<vmem>>[vector<16xi32>], vector<16xf32>,
    %add3A_422 = arith.addf %add3A_418, %gather3A_421 : vector<16xf32>
    %get3A_423 = arith.constant 1696 : index
    %get3A_424 = tpu.vector_load %arg5[%get3A_423] {strides = array<i32>} : memref<2048xi32, #tpu.memory_space<vmem>>, vector<16xi32>,
    %gather3A_425 = tpu.vector_load_idx %arg6[%get3A_424] : memref<128xf32, #tpu.memory_space<vmem>>[vector<16xi32>], vector<16xf32>,
    %add3A_426 = arith.addf %add3A_422, %gather3A_425 : vector<16xf32>
    %get3A_427 = arith.constant 1712 : index
    %get3A_428 = tpu.vector_load %arg5[%get3A_427] {strides = array<i32>} : memref<2048xi32, #tpu.memory_space<vmem>>, vector<16xi32>,
    %gather3A_429 = tpu.vector_load_idx %arg6[%get3A_428] : memref<128xf32, #tpu.memory_space<vmem>>[vector<16xi32>], vector<16xf32>,
    %add3A_430 = arith.addf %add3A_426, %gather3A_429 : vector<16xf32>
    %get3A_431 = arith.constant 1728 : index
    %get3A_432 = tpu.vector_load %arg5[%get3A_431] {strides = array<i32>} : memref<2048xi32, #tpu.memory_space<vmem>>, vector<16xi32>,
    %gather3A_433 = tpu.vector_load_idx %arg6[%get3A_432] : memref<128xf32, #tpu.memory_space<vmem>>[vector<16xi32>], vector<16xf32>,
    %add3A_434 = arith.addf %add3A_430, %gather3A_433 : vector<16xf32>
    %get3A_435 = arith.constant 1744 : index
    %get3A_436 = tpu.vector_load %arg5[%get3A_435] {strides = array<i32>} : memref<2048xi32, #tpu.memory_space<vmem>>, vector<16xi32>,
    %gather3A_437 = tpu.vector_load_idx %arg6[%get3A_436] : memref<128xf32, #tpu.memory_space<vmem>>[vector<16xi32>], vector<16xf32>,
    %add3A_438 = arith.addf %add3A_434, %gather3A_437 : vector<16xf32>
    %get3A_439 = arith.constant 1760 : index
    %get3A_440 = tpu.vector_load %arg5[%get3A_439] {strides = array<i32>} : memref<2048xi32, #tpu.memory_space<vmem>>, vector<16xi32>,
    %gather3A_441 = tpu.vector_load_idx %arg6[%get3A_440] : memref<128xf32, #tpu.memory_space<vmem>>[vector<16xi32>], vector<16xf32>,
    %add3A_442 = arith.addf %add3A_438, %gather3A_441 : vector<16xf32>
    %get3A_443 = arith.constant 1776 : index
    %get3A_444 = tpu.vector_load %arg5[%get3A_443] {strides = array<i32>} : memref<2048xi32, #tpu.memory_space<vmem>>, vector<16xi32>,
    %gather3A_445 = tpu.vector_load_idx %arg6[%get3A_444] : memref<128xf32, #tpu.memory_space<vmem>>[vector<16xi32>], vector<16xf32>,
    %add3A_446 = arith.addf %add3A_442, %gather3A_445 : vector<16xf32>
    %get3A_447 = arith.constant 1792 : index
    %get3A_448 = tpu.vector_load %arg5[%get3A_447] {strides = array<i32>} : memref<2048xi32, #tpu.memory_space<vmem>>, vector<16xi32>,
    %gather3A_449 = tpu.vector_load_idx %arg6[%get3A_448] : memref<128xf32, #tpu.memory_space<vmem>>[vector<16xi32>], vector<16xf32>,
    %add3A_450 = arith.addf %add3A_446, %gather3A_449 : vector<16xf32>
    %get3A_451 = arith.constant 1808 : index
    %get3A_452 = tpu.vector_load %arg5[%get3A_451] {strides = array<i32>} : memref<2048xi32, #tpu.memory_space<vmem>>, vector<16xi32>,
    %gather3A_453 = tpu.vector_load_idx %arg6[%get3A_452] : memref<128xf32, #tpu.memory_space<vmem>>[vector<16xi32>], vector<16xf32>,
    %add3A_454 = arith.addf %add3A_450, %gather3A_453 : vector<16xf32>
    %get3A_455 = arith.constant 1824 : index
    %get3A_456 = tpu.vector_load %arg5[%get3A_455] {strides = array<i32>} : memref<2048xi32, #tpu.memory_space<vmem>>, vector<16xi32>,
    %gather3A_457 = tpu.vector_load_idx %arg6[%get3A_456] : memref<128xf32, #tpu.memory_space<vmem>>[vector<16xi32>], vector<16xf32>,
    %add3A_458 = arith.addf %add3A_454, %gather3A_457 : vector<16xf32>
    %get3A_459 = arith.constant 1840 : index
    %get3A_460 = tpu.vector_load %arg5[%get3A_459] {strides = array<i32>} : memref<2048xi32, #tpu.memory_space<vmem>>, vector<16xi32>,
    %gather3A_461 = tpu.vector_load_idx %arg6[%get3A_460] : memref<128xf32, #tpu.memory_space<vmem>>[vector<16xi32>], vector<16xf32>,
    %add3A_462 = arith.addf %add3A_458, %gather3A_461 : vector<16xf32>
    %get3A_463 = arith.constant 1856 : index
    %get3A_464 = tpu.vector_load %arg5[%get3A_463] {strides = array<i32>} : memref<2048xi32, #tpu.memory_space<vmem>>, vector<16xi32>,
    %gather3A_465 = tpu.vector_load_idx %arg6[%get3A_464] : memref<128xf32, #tpu.memory_space<vmem>>[vector<16xi32>], vector<16xf32>,
    %add3A_466 = arith.addf %add3A_462, %gather3A_465 : vector<16xf32>
    %get3A_467 = arith.constant 1872 : index
    %get3A_468 = tpu.vector_load %arg5[%get3A_467] {strides = array<i32>} : memref<2048xi32, #tpu.memory_space<vmem>>, vector<16xi32>,
    %gather3A_469 = tpu.vector_load_idx %arg6[%get3A_468] : memref<128xf32, #tpu.memory_space<vmem>>[vector<16xi32>], vector<16xf32>,
    %add3A_470 = arith.addf %add3A_466, %gather3A_469 : vector<16xf32>
    %get3A_471 = arith.constant 1888 : index
    %get3A_472 = tpu.vector_load %arg5[%get3A_471] {strides = array<i32>} : memref<2048xi32, #tpu.memory_space<vmem>>, vector<16xi32>,
    %gather3A_473 = tpu.vector_load_idx %arg6[%get3A_472] : memref<128xf32, #tpu.memory_space<vmem>>[vector<16xi32>], vector<16xf32>,
    %add3A_474 = arith.addf %add3A_470, %gather3A_473 : vector<16xf32>
    %get3A_475 = arith.constant 1904 : index
    %get3A_476 = tpu.vector_load %arg5[%get3A_475] {strides = array<i32>} : memref<2048xi32, #tpu.memory_space<vmem>>, vector<16xi32>,
    %gather3A_477 = tpu.vector_load_idx %arg6[%get3A_476] : memref<128xf32, #tpu.memory_space<vmem>>[vector<16xi32>], vector<16xf32>,
    %add3A_478 = arith.addf %add3A_474, %gather3A_477 : vector<16xf32>
    %get3A_479 = arith.constant 1920 : index
    %get3A_480 = tpu.vector_load %arg5[%get3A_479] {strides = array<i32>} : memref<2048xi32, #tpu.memory_space<vmem>>, vector<16xi32>,
    %gather3A_481 = tpu.vector_load_idx %arg6[%get3A_480] : memref<128xf32, #tpu.memory_space<vmem>>[vector<16xi32>], vector<16xf32>,
    %add3A_482 = arith.addf %add3A_478, %gather3A_481 : vector<16xf32>
    %get3A_483 = arith.constant 1936 : index
    %get3A_484 = tpu.vector_load %arg5[%get3A_483] {strides = array<i32>} : memref<2048xi32, #tpu.memory_space<vmem>>, vector<16xi32>,
    %gather3A_485 = tpu.vector_load_idx %arg6[%get3A_484] : memref<128xf32, #tpu.memory_space<vmem>>[vector<16xi32>], vector<16xf32>,
    %add3A_486 = arith.addf %add3A_482, %gather3A_485 : vector<16xf32>
    %get3A_487 = arith.constant 1952 : index
    %get3A_488 = tpu.vector_load %arg5[%get3A_487] {strides = array<i32>} : memref<2048xi32, #tpu.memory_space<vmem>>, vector<16xi32>,
    %gather3A_489 = tpu.vector_load_idx %arg6[%get3A_488] : memref<128xf32, #tpu.memory_space<vmem>>[vector<16xi32>], vector<16xf32>,
    %add3A_490 = arith.addf %add3A_486, %gather3A_489 : vector<16xf32>
    %get3A_491 = arith.constant 1968 : index
    %get3A_492 = tpu.vector_load %arg5[%get3A_491] {strides = array<i32>} : memref<2048xi32, #tpu.memory_space<vmem>>, vector<16xi32>,
    %gather3A_493 = tpu.vector_load_idx %arg6[%get3A_492] : memref<128xf32, #tpu.memory_space<vmem>>[vector<16xi32>], vector<16xf32>,
    %add3A_494 = arith.addf %add3A_490, %gather3A_493 : vector<16xf32>
    %get3A_495 = arith.constant 1984 : index
    %get3A_496 = tpu.vector_load %arg5[%get3A_495] {strides = array<i32>} : memref<2048xi32, #tpu.memory_space<vmem>>, vector<16xi32>,
    %gather3A_497 = tpu.vector_load_idx %arg6[%get3A_496] : memref<128xf32, #tpu.memory_space<vmem>>[vector<16xi32>], vector<16xf32>,
    %add3A_498 = arith.addf %add3A_494, %gather3A_497 : vector<16xf32>
    %get3A_499 = arith.constant 2000 : index
    %get3A_500 = tpu.vector_load %arg5[%get3A_499] {strides = array<i32>} : memref<2048xi32, #tpu.memory_space<vmem>>, vector<16xi32>,
    %gather3A_501 = tpu.vector_load_idx %arg6[%get3A_500] : memref<128xf32, #tpu.memory_space<vmem>>[vector<16xi32>], vector<16xf32>,
    %add3A_502 = arith.addf %add3A_498, %gather3A_501 : vector<16xf32>
    %get3A_503 = arith.constant 2016 : index
    %get3A_504 = tpu.vector_load %arg5[%get3A_503] {strides = array<i32>} : memref<2048xi32, #tpu.memory_space<vmem>>, vector<16xi32>,
    %gather3A_505 = tpu.vector_load_idx %arg6[%get3A_504] : memref<128xf32, #tpu.memory_space<vmem>>[vector<16xi32>], vector<16xf32>,
    %add3A_506 = arith.addf %add3A_502, %gather3A_505 : vector<16xf32>
    %get3A_507 = arith.constant 2032 : index
    %get3A_508 = tpu.vector_load %arg5[%get3A_507] {strides = array<i32>} : memref<2048xi32, #tpu.memory_space<vmem>>, vector<16xi32>,
    %gather3A_509 = tpu.vector_load_idx %arg6[%get3A_508] : memref<128xf32, #tpu.memory_space<vmem>>[vector<16xi32>], vector<16xf32>,
    %add3A_510 = arith.addf %add3A_506, %gather3A_509 : vector<16xf32>
    %mul3A_511 = arith.constant 5.96046448E-8 : f32
    %mul3A_512 = vector.broadcast %mul3A_511 : f32 to vector<16xf32>
    %mul3A_513 = arith.mulf %add3A_510, %mul3A_512 : vector<16xf32>
    %swap3A = arith.constant 0 : index
    %swap3A_514 = tpu.vector_load %arg7[%swap3A] {strides = array<i32>} : memref<16xf32, #tpu.memory_space<vmem>>, vector<16xf32>,
    tpu.vector_store %arg7[%swap3A], %mul3A_513 {strides = array<i32>} : memref<16xf32, #tpu.memory_space<vmem>>, vector<16xf32>,
    "tpu.region"() ({
      %run_scoped3A = tpu.sem_alloc : memref<!tpu.dma_semaphore, #tpu.memory_space<semaphore_mem>>
      %dma_start3A = arith.constant 0 : i32
      %dma_start3A_515 = tpu.memref_slice %arg4[%arg1, %dma_start3A] : memref<16x16xf32, #tpu.memory_space<hbm>> -> memref<1x16xf32, #tpu.memory_space<hbm>>
      %dma_start3A_516 = tpu.memref_squeeze %dma_start3A_515 : memref<1x16xf32, #tpu.memory_space<hbm>> -> memref<16xf32, #tpu.memory_space<hbm>>
      %dma_start3A_517 = arith.constant 0 : i32
      %dma_start3A_518 = tpu.memref_slice %arg4[%arg1, %dma_start3A_517] : memref<16x16xf32, #tpu.memory_space<hbm>> -> memref<1x16xf32, #tpu.memory_space<hbm>>
      %dma_start3A_519 = tpu.memref_squeeze %dma_start3A_518 : memref<1x16xf32, #tpu.memory_space<hbm>> -> memref<16xf32, #tpu.memory_space<hbm>>
      tpu.enqueue_dma source(%arg7 : memref<16xf32, #tpu.memory_space<vmem>>) target(%dma_start3A_519 : memref<16xf32, #tpu.memory_space<hbm>>) target_semaphore(%run_scoped3A : memref<!tpu.dma_semaphore, #tpu.memory_space<semaphore_mem>>)
      %dma_wait3A = arith.constant 0 : i32
      %dma_wait3A_520 = tpu.memref_slice %arg4[%arg1, %dma_wait3A] : memref<16x16xf32, #tpu.memory_space<hbm>> -> memref<1x16xf32, #tpu.memory_space<hbm>>
      %dma_wait3A_521 = tpu.memref_squeeze %dma_wait3A_520 : memref<1x16xf32, #tpu.memory_space<hbm>> -> memref<16xf32, #tpu.memory_space<hbm>>
      %dma_wait3A_522 = arith.constant 0 : i32
      %dma_wait3A_523 = tpu.memref_slice %arg4[%arg1, %dma_wait3A_522] : memref<16x16xf32, #tpu.memory_space<hbm>> -> memref<1x16xf32, #tpu.memory_space<hbm>>
      %dma_wait3A_524 = tpu.memref_squeeze %dma_wait3A_523 : memref<1x16xf32, #tpu.memory_space<hbm>> -> memref<16xf32, #tpu.memory_space<hbm>>
      tpu.wait_dma2 semaphore(%run_scoped3A : memref<!tpu.dma_semaphore, #tpu.memory_space<semaphore_mem>>) src(%arg7 : memref<16xf32, #tpu.memory_space<vmem>>) dst(%dma_wait3A_524 : memref<16xf32, #tpu.memory_space<hbm>>)
      tpu.yield
    }) : () -> ()
    return
  }
}

module attributes {stable_mosaic.version = 14 : i64} {
  func.func @_router_body(%arg0: i32, %arg1: memref<4096x768xf32, #tpu.memory_space<vmem>>, %arg2: memref<768x64xf32, #tpu.memory_space<vmem>>, %arg3: memref<2x4096xi32, #tpu.memory_space<vmem>>, %arg4: memref<2x4096xf32, #tpu.memory_space<vmem>>, %arg5: memref<4096xi32, #tpu.memory_space<vmem>>, %arg6: memref<1x64xf32, #tpu.memory_space<vmem>>, %arg7: memref<64x1xf32, #tpu.memory_space<vmem>>) attributes {dimension_semantics = [#tpu.dimension_semantics<arbitrary>], iteration_bounds = array<i64: 8>, scalar_prefetch = 0 : i64, scratch_operands = 1 : i64, tpu.core_type = #tpu.core_type<tc>, window_params = [{transform_indices = @transform_0, window_bounds = array<i64: 4096, 768>}, {pipeline_mode = #tpu.pipeline_mode<synchronous>, transform_indices = @transform_1, window_bounds = array<i64: 768, 64>}, {transform_indices = @transform_2, window_bounds = array<i64: 2, 4096>}, {transform_indices = @transform_3, window_bounds = array<i64: 2, 4096>}, {transform_indices = @transform_4, window_bounds = array<i64: 4096>}, {pipeline_mode = #tpu.pipeline_mode<synchronous>, transform_indices = @transform_5, window_bounds = array<i64: 1, 64>}]} {
    %get3A = arith.constant 0 : index
    %get3A_0 = arith.constant 0 : index
    %get3A_1 = vector.load %arg1[%get3A, %get3A_0] : memref<4096x768xf32, #tpu.memory_space<vmem>>, vector<4096x768xf32>
    %get3A_2 = arith.constant 0 : index
    %get3A_3 = arith.constant 0 : index
    %get3A_4 = vector.load %arg2[%get3A_2, %get3A_3] : memref<768x64xf32, #tpu.memory_space<vmem>>, vector<768x64xf32>
    %dot_general3A = arith.constant dense<0.000000e+00> : vector<4096x64xf32>
    %dot_general3A_5 = tpu.matmul %get3A_1, %get3A_4, %dot_general3A {dimension_numbers = #tpu.dot_dimension_numbers<[1], [0], [0], [1], [0, 0, 1, 1], [], []>, transpose_lhs_hint = false} : vector<4096x768xf32>, vector<768x64xf32>, vector<4096x64xf32> -> vector<4096x64xf32>
    %transpose3A = tpu.transpose %dot_general3A_5, [1, 0] : vector<4096x64xf32> -> vector<64x4096xf32>
    %reduce_max3A = arith.constant dense<0xFF800000> : vector<4096xf32>
    %reduce_max3A_6 = vector.multi_reduction <maximumf>, %transpose3A, %reduce_max3A [0] : vector<64x4096xf32> to vector<4096xf32>
    %broadcast_in_dim3A = vector.shape_cast %reduce_max3A_6 : vector<4096xf32> to vector<1x4096xf32>
    %argmax3A = tpu.reduce_index %transpose3A {axis = 0 : i32, kind = #tpu.reduction_kind<arg_max>} : vector<64x4096xf32> -> vector<4096xi32>
    %sub3A = vector.broadcast %broadcast_in_dim3A : vector<1x4096xf32> to vector<64x4096xf32>
    %sub3A_7 = arith.subf %transpose3A, %sub3A : vector<64x4096xf32>
    %exp3A = math.exp %sub3A_7 : vector<64x4096xf32>
    %reduce_sum3A = arith.constant dense<0.000000e+00> : vector<4096xf32>
    %reduce_sum3A_8 = vector.multi_reduction <add>, %exp3A, %reduce_sum3A [0] : vector<64x4096xf32> to vector<4096xf32>
    %broadcast_in_dim3A_9 = vector.shape_cast %reduce_sum3A_8 : vector<4096xf32> to vector<1x4096xf32>
    %div3A = arith.constant 1.000000e+00 : f32
    %div3A_10 = vector.broadcast %div3A : f32 to vector<1x4096xf32>
    %div3A_11 = arith.divf %div3A_10, %broadcast_in_dim3A_9 : vector<1x4096xf32>
    %mul3A = vector.broadcast %div3A_11 : vector<1x4096xf32> to vector<64x4096xf32>
    %mul3A_12 = arith.mulf %exp3A, %mul3A : vector<64x4096xf32>
    %iota3A = tpu.iota {dimensions = array<i32: 0>} : vector<64x4096xi32>
    %broadcast_in_dim3A_13 = vector.shape_cast %argmax3A : vector<4096xi32> to vector<1x4096xi32>
    %eq3A = vector.broadcast %broadcast_in_dim3A_13 : vector<1x4096xi32> to vector<64x4096xi32>
    %eq3A_14 = arith.cmpi eq, %iota3A, %eq3A : vector<64x4096xi32>
    %jit3A = arith.constant 0xFF800000 : f32
    %broadcast_in_dim3A_15 = vector.broadcast %jit3A : f32 to vector<64x4096xf32>
    %select_n3A = arith.select %eq3A_14, %broadcast_in_dim3A_15, %transpose3A : vector<64x4096xi1>, vector<64x4096xf32>
    %reduce_max3A_16 = arith.constant dense<0xFF800000> : vector<4096xf32>
    %reduce_max3A_17 = vector.multi_reduction <maximumf>, %select_n3A, %reduce_max3A_16 [0] : vector<64x4096xf32> to vector<4096xf32>
    %broadcast_in_dim3A_18 = vector.shape_cast %reduce_max3A_17 : vector<4096xf32> to vector<1x4096xf32>
    %argmax3A_19 = tpu.reduce_index %select_n3A {axis = 0 : i32, kind = #tpu.reduction_kind<arg_max>} : vector<64x4096xf32> -> vector<4096xi32>
    %sub3A_20 = arith.subf %broadcast_in_dim3A_18, %broadcast_in_dim3A : vector<1x4096xf32>
    %exp3A_21 = math.exp %sub3A_20 : vector<1x4096xf32>
    %mul3A_22 = arith.mulf %exp3A_21, %div3A_11 : vector<1x4096xf32>
    %broadcast_in_dim3A_23 = vector.shape_cast %argmax3A : vector<4096xi32> to vector<1x4096xi32>
    %swap3A = arith.constant 0 : index
    %swap3A_24 = arith.constant 0 : index
    %swap3A_25 = vector.load %arg3[%swap3A, %swap3A_24] : memref<2x4096xi32, #tpu.memory_space<vmem>>, vector<1x4096xi32>
    tpu.vector_store %arg3[%swap3A, %swap3A_24], %broadcast_in_dim3A_23 {strides = array<i32>} : memref<2x4096xi32, #tpu.memory_space<vmem>>, vector<1x4096xi32>,
    %broadcast_in_dim3A_26 = vector.shape_cast %argmax3A_19 : vector<4096xi32> to vector<1x4096xi32>
    %swap3A_27 = arith.constant 1 : index
    %swap3A_28 = arith.constant 0 : index
    %swap3A_29 = vector.load %arg3[%swap3A_27, %swap3A_28] : memref<2x4096xi32, #tpu.memory_space<vmem>>, vector<1x4096xi32>
    tpu.vector_store %arg3[%swap3A_27, %swap3A_28], %broadcast_in_dim3A_26 {strides = array<i32>} : memref<2x4096xi32, #tpu.memory_space<vmem>>, vector<1x4096xi32>,
    %swap3A_30 = arith.constant 0 : index
    %swap3A_31 = arith.constant 0 : index
    %swap3A_32 = vector.load %arg4[%swap3A_30, %swap3A_31] : memref<2x4096xf32, #tpu.memory_space<vmem>>, vector<1x4096xf32>
    tpu.vector_store %arg4[%swap3A_30, %swap3A_31], %div3A_11 {strides = array<i32>} : memref<2x4096xf32, #tpu.memory_space<vmem>>, vector<1x4096xf32>,
    %swap3A_33 = arith.constant 1 : index
    %swap3A_34 = arith.constant 0 : index
    %swap3A_35 = vector.load %arg4[%swap3A_33, %swap3A_34] : memref<2x4096xf32, #tpu.memory_space<vmem>>, vector<1x4096xf32>
    tpu.vector_store %arg4[%swap3A_33, %swap3A_34], %mul3A_22 {strides = array<i32>} : memref<2x4096xf32, #tpu.memory_space<vmem>>, vector<1x4096xf32>,
    %swap3A_36 = arith.constant 0 : index
    %swap3A_37 = vector.load %arg5[%swap3A_36] : memref<4096xi32, #tpu.memory_space<vmem>>, vector<4096xi32>
    tpu.vector_store %arg5[%swap3A_36], %argmax3A {strides = array<i32>} : memref<4096xi32, #tpu.memory_space<vmem>>, vector<4096xi32>,
    %reduce_sum3A_38 = arith.constant dense<0.000000e+00> : vector<64xf32>
    %reduce_sum3A_39 = vector.multi_reduction <add>, %mul3A_12, %reduce_sum3A_38 [1] : vector<64x4096xf32> to vector<64xf32>
    %broadcast_in_dim3A_40 = vector.shape_cast %reduce_sum3A_39 : vector<64xf32> to vector<64x1xf32>
    %eq3A_41 = arith.constant 0 : i32
    %eq3A_42 = arith.cmpi eq, %arg0, %eq3A_41 : i32
    %convert_element_type3A = arith.extui %eq3A_42 : i1 to i32
    %cond3A = arith.constant 0 : i32
    %cond3A_43 = arith.cmpi ne, %convert_element_type3A, %cond3A : i32
    scf.if %cond3A_43 {
      %swap3A_53 = arith.constant 0 : index
      %swap3A_54 = arith.constant 0 : index
      %swap3A_55 = vector.load %arg7[%swap3A_53, %swap3A_54] : memref<64x1xf32, #tpu.memory_space<vmem>>, vector<64x1xf32>
      tpu.vector_store %arg7[%swap3A_53, %swap3A_54], %broadcast_in_dim3A_40 {strides = array<i32>} : memref<64x1xf32, #tpu.memory_space<vmem>>, vector<64x1xf32>,
    } else {
    }
    %ne3A = arith.constant 0 : i32
    %ne3A_44 = arith.cmpi ne, %arg0, %ne3A : i32
    %convert_element_type3A_45 = arith.extui %ne3A_44 : i1 to i32
    %cond3A_46 = arith.constant 0 : i32
    %cond3A_47 = arith.cmpi ne, %convert_element_type3A_45, %cond3A_46 : i32
    scf.if %cond3A_47 {
      %get3A_53 = arith.constant 0 : index
      %get3A_54 = arith.constant 0 : index
      %get3A_55 = vector.load %arg7[%get3A_53, %get3A_54] : memref<64x1xf32, #tpu.memory_space<vmem>>, vector<64x1xf32>
      %add3A = arith.addf %get3A_55, %broadcast_in_dim3A_40 : vector<64x1xf32>
      %swap3A_56 = arith.constant 0 : index
      %swap3A_57 = arith.constant 0 : index
      %swap3A_58 = vector.load %arg7[%swap3A_56, %swap3A_57] : memref<64x1xf32, #tpu.memory_space<vmem>>, vector<64x1xf32>
      tpu.vector_store %arg7[%swap3A_56, %swap3A_57], %add3A {strides = array<i32>} : memref<64x1xf32, #tpu.memory_space<vmem>>, vector<64x1xf32>,
    } else {
    }
    %eq3A_48 = arith.constant 7 : i32
    %eq3A_49 = arith.cmpi eq, %arg0, %eq3A_48 : i32
    %convert_element_type3A_50 = arith.extui %eq3A_49 : i1 to i32
    %cond3A_51 = arith.constant 0 : i32
    %cond3A_52 = arith.cmpi ne, %convert_element_type3A_50, %cond3A_51 : i32
    scf.if %cond3A_52 {
      %get3A_53 = arith.constant 0 : index
      %get3A_54 = arith.constant 0 : index
      %get3A_55 = vector.load %arg7[%get3A_53, %get3A_54] : memref<64x1xf32, #tpu.memory_space<vmem>>, vector<64x1xf32>
      %transpose3A_56 = tpu.transpose %get3A_55, [1, 0] : vector<64x1xf32> -> vector<1x64xf32>
      %swap3A_57 = arith.constant 0 : index
      %swap3A_58 = arith.constant 0 : index
      %swap3A_59 = vector.load %arg6[%swap3A_57, %swap3A_58] : memref<1x64xf32, #tpu.memory_space<vmem>>, vector<1x64xf32>
      tpu.vector_store %arg6[%swap3A_57, %swap3A_58], %transpose3A_56 {strides = array<i32>} : memref<1x64xf32, #tpu.memory_space<vmem>>, vector<1x64xf32>,
    } else {
    }
    return
  }
  func.func @transform_0(%arg0: i32) -> (i32, i32) {
    %c0_i32 = arith.constant 0 : i32
    %c0_i32_0 = arith.constant 0 : i32
    return %arg0, %c0_i32 : i32, i32
  }
  func.func @transform_1(%arg0: i32) -> (i32, i32) {
    %c0_i32 = arith.constant 0 : i32
    %c0_i32_0 = arith.constant 0 : i32
    %c0_i32_1 = arith.constant 0 : i32
    return %c0_i32, %c0_i32_0 : i32, i32
  }
  func.func @transform_2(%arg0: i32) -> (i32, i32) {
    %c0_i32 = arith.constant 0 : i32
    %c0_i32_0 = arith.constant 0 : i32
    return %c0_i32, %arg0 : i32, i32
  }
  func.func @transform_3(%arg0: i32) -> (i32, i32) {
    %c0_i32 = arith.constant 0 : i32
    %c0_i32_0 = arith.constant 0 : i32
    return %c0_i32, %arg0 : i32, i32
  }
  func.func @transform_4(%arg0: i32) -> i32 {
    %c0_i32 = arith.constant 0 : i32
    return %arg0 : i32
  }
  func.func @transform_5(%arg0: i32) -> (i32, i32) {
    %c0_i32 = arith.constant 0 : i32
    %c0_i32_0 = arith.constant 0 : i32
    %c0_i32_1 = arith.constant 0 : i32
    return %c0_i32, %c0_i32_0 : i32, i32
  }
}

</mosaic_0001>

<sc_bundles>
// kernel: kernel.4.cloned.1.call-start
scs
__scs_entry_jumppad:
0x0: {  	(pc) =	sbr.rel $0x88, $3  }
0x1: {  	(tag) =	ssettag $0x0;
	lr =	simm.s32 $0x1  }
0x2: {  	[smem:$0x3F9F] =	sst lr;
	_ =	strace $0xD0000000  }
0x3: {  	_ = 	snop  }
0x4: {  	_ = 	snop  }
0x5: {  	_ = 	snop  }
0x6: {  	_ = 	snop  }
0x7: {  	_ = 	snop  }
__scs_overlays_trampoline_lowered:
0x8: {  	[smem:$0x3FAE] =	sst s0  }
0x9: {  	[smem:$0x3FAF] =	sst s1  }
0xa: {  	[smem:$0x3FB0] =	sst s2  }
0xb: {  	[smem:$0x3FB1] =	sst s3  }
0xc: {  	[smem:$0x3FB2] =	sst s4  }
0xd: {  	[smem:$0x3FB3] =	sst s5  }
0xe: {  	[smem:$0x3FB4] =	sst s6  }
0xf: {  	[smem:$0x3FB5] =	sst s7  }
0x10: {  	[smem:$0x3FB6] =	sst s8  }
0x11: {  	[smem:$0x3FB7] =	sst s9;
	s0 =	simm.s32 @!p0 $0x0  }
0x12: {  	s1 =	sld [smem:$0x3F9D];
	s0 =	simm.s32 @p0 $0x1  }
0x13: {  	[smem:$0x3FB8] =	sst s0;
	s0 =	simm.s32 @!p1 $0x0  }
0x14: {  	s2 =	sld [smem:$0x3F9C];
	s0 =	simm.s32 @p1 $0x1  }
0x15: {  	[smem:$0x3FB9] =	sst s0;
	s0 =	simm.s32 @!p2 $0x0  }
0x16: {  	s3 =	sld [smem:$0x3FDB];
	s0 =	simm.s32 @p2 $0x1  }
0x17: {  	s4 =	simm.s32 $0x1BF5;
	[smem:$0x3FBB] =	sst s0  }
0x18: {  	s0 =	sld [smem:$0x3F9E];
	_ =	swait.ge [sflag:s4], $0x0  }
0x19: {  	s7 =	sld [smem:$0x3F9F]  }
0x1a: {  	s8 =	sadd.s32 $0xFFFFE003, lr  }
0x1b: {  	s9 =	sadd.s32 $0xFFFFFEF7, lr;
	s5 =	simm.s32 $0xFFFFFFFF;
	p2 =	slt.u32 s8, $0xFFFFF086  }
0x1c: {  	p1 =	slt.u32 s9, $0xF7A;
	s5 =	simm.s32 @!p2 $0x0  }
0x1d: {  	s5 =	simm.s32 @p1 $0x1;
	p0 =	seq.s32 s7, s2  }
0x1e: {  	s7 =	smul.u32 @!p0 $0xF7A, s2;
	p2 =	seq.s32 @!p0 s5, $0x0  }
0x1f: {  	s9 =	smul.u32 $0xF7A, s1;
	s8 =	simm.s32 @!p0 $0x1BF5;
	p2 =	por !p2, p0  }
0x20: {  	[sflag:s8] =	ssyncset.s32 @!p0 $0xFFFFF086;
	s6 =	sadd.s32 @!p0 s3, s7;
	s7 =	simm.s32 @!p0 $0x108  }
0x21: {  	s3 =	sadd.s32 s3, s9;
	s6 =	sadd.s32 @!p0 $0x88, s6;
	s7 =	simm.s32 @p2 $0x1082  }
0x22: {  	[simem:s7], [sflag:s8] =	dma.local @!p0 [hbm:s6], $0xF7A  }
0x23: {  	s9 =	sor.u32 $0xD0000000, s2;
	s6 =	simm.s32 $0x108;
	_ =	swait.ge @!p0 [sflag:s8], $0x0  }
0x24: {  	s3 =	sadd.s32 $0x88, s3;
	s6 =	simm.s32 @!p1 $0x1082;
	[sflag:s4] =	ssyncset.s32 $0xFFFFF086  }
0x25: {  	[simem:s6], [sflag:s4] =	dma.local [hbm:s3], $0xF7A  }
0x26: {  	[smem:$0x3F9F] =	sst s1;
	(tag) =	ssettag s2;
	_ =	strace s9  }
0x27: {  	s1 =	sld [smem:$0x3FAF]  }
0x28: {  	s2 =	sld [smem:$0x3FB0]  }
0x29: {  	s4 =	sld [smem:$0x3FB2]  }
0x2a: {  	p0 =	seq.s32 s5, $0x0;
	s5 =	sld [smem:$0x3FB3]  }
0x2b: {  	s6 =	sld [smem:$0x3FB4]  }
0x2c: {  	s7 =	sld [smem:$0x3FB5]  }
0x2d: {  	s3 =	simm.s32 $0x108;
	s8 =	sld [smem:$0x3FB6]  }
0x2e: {  	s3 =	simm.s32 @!p0 $0x1082;
	s9 =	sld [smem:$0x3FB7]  }
0x2f: {  	lr =	sadd.s32 s0, s3;
	s0 =	sld [smem:$0x3FAE]  }
0x30: {  	s3 =	sld [smem:$0x3FB1]  }
0x31: {  	[smem:$0x3FBA] =	sst s10  }
0x32: {  	s10 =	sld [smem:$0x3FB8];
	_ =	sdelay $0x3  }
0x33: {  	p0 =	seq.s32 s10, $0x1;
	s10 =	sld [smem:$0x3FBA];
	_ =	sdelay $0x3  }
0x34: {  	[smem:$0x3FBA] =	sst s10  }
0x35: {  	s10 =	sld [smem:$0x3FB9];
	_ =	sdelay $0x3  }
0x36: {  	p1 =	seq.s32 s10, $0x1;
	s10 =	sld [smem:$0x3FBA];
	_ =	sdelay $0x3  }
0x37: {  	[smem:$0x3FBA] =	sst s10  }
0x38: {  	s10 =	sld [smem:$0x3FBB]  }
0x39: {  	_ = 	snop;
	(pc) =	sbr.ind lr, $3  }
0x3a: {  	_ = 	snop  }
0x3b: {  	_ = 	snop  }
0x3c: {  	p2 =	seq.s32 s10, $0x1;
	s10 =	sld [smem:$0x3FBA]  }
0x3d: {  	_ =	shalt  }
0x3e: {  	_ =	shalt  }
0x3f: {  	_ =	shalt  }
0x40: {  	_ =	shalt  }
0x41: {  	_ =	shalt  }
0x42: {  	_ =	shalt  }
0x43: {  	_ =	shalt  }
0x44: {  	_ =	shalt  }
0x45: {  	_ =	shalt  }
0x46: {  	_ =	shalt  }
0x47: {  	_ =	shalt  }
0x48: {  	_ =	shalt  }
0x49: {  	_ =	shalt  }
0x4a: {  	_ =	shalt  }
0x4b: {  	_ =	shalt  }
0x4c: {  	_ =	shalt  }
0x4d: {  	_ =	shalt  }
0x4e: {  	_ =	shalt  }
0x4f: {  	_ =	shalt  }
0x50: {  	_ =	shalt  }
0x51: {  	_ =	shalt  }
0x52: {  	_ =	shalt  }
0x53: {  	_ =	shalt  }
0x54: {  	_ =	shalt  }
0x55: {  	_ =	shalt  }
0x56: {  	_ =	shalt  }
0x57: {  	_ =	shalt  }
0x58: {  	_ =	shalt  }
0x59: {  	_ =	shalt  }
0x5a: {  	_ =	shalt  }
0x5b: {  	_ =	shalt  }
0x5c: {  	_ =	shalt  }
0x5d: {  	_ =	shalt  }
0x5e: {  	_ =	shalt  }
0x5f: {  	_ =	shalt  }
0x60: {  	_ =	shalt  }
0x61: {  	_ =	shalt  }
0x62: {  	_ =	shalt  }
0x63: {  	_ =	shalt  }
0x64: {  	_ =	shalt  }
0x65: {  	_ =	shalt  }
0x66: {  	_ =	shalt  }
0x67: {  	_ =	shalt  }
0x68: {  	_ =	shalt  }
0x69: {  	_ =	shalt  }
0x6a: {  	_ =	shalt  }
0x6b: {  	_ =	shalt  }
0x6c: {  	_ =	shalt  }
0x6d: {  	_ =	shalt  }
0x6e: {  	_ =	shalt  }
0x6f: {  	_ =	shalt  }
0x70: {  	_ =	shalt  }
0x71: {  	_ =	shalt  }
0x72: {  	_ =	shalt  }
0x73: {  	_ =	shalt  }
0x74: {  	_ =	shalt  }
0x75: {  	_ =	shalt  }
0x76: {  	_ =	shalt  }
0x77: {  	_ =	shalt  }
0x78: {  	_ =	shalt  }
0x79: {  	_ =	shalt  }
0x7a: {  	_ =	shalt  }
0x7b: {  	_ =	shalt  }
0x7c: {  	_ =	shalt  }
0x7d: {  	_ =	shalt  }
0x7e: {  	_ =	shalt  }
0x7f: {  	_ =	shalt  }
0x80: {  	_ =	shalt  }
0x81: {  	_ =	shalt  }
0x82: {  	_ =	shalt  }
0x83: {  	_ =	shalt  }
0x84: {  	_ =	shalt  }
0x85: {  	_ =	shalt  }
0x86: {  	_ =	shalt  }
0x87: {  	_ =	shalt  }
.Lfunc_end0:
.L_simem_size_0:
called_computation_lowered:
.L_overlay_start_0:
0x88: {  	s0 =	sld [smem:$0x3FD9]  }
0x89: {  	s1 =	sld [smem:$0x3FFE];
	_ =	sdelay $0x3  }
0x8a: {  	s0 =	sadd.s32 s1, s0  }
0x8b: {  	[smem:$0x3FC6] =	sst s0  }
0x8c: {  	_ = 	snop  }
0x8d: {  	s0 =	sld [smem:$0x3FD0];
	_ =	sdelay $0x2  }
0x8e: {  	s13 =	simm.s32 $0xA;
	s2 =	simm.s32 $0x10  }
0x8f: {  	[smem:s2], [sflag:s13] =	dma.local [hbm:s0], $0x1  }
0x90: {  	_ =	swait.eq [sflag:s13], $0x1  }
0x91: {  	[sflag:s13] =	ssyncset.done $0x0  }
0x92: {  	[sflag:s13] =	ssyncadd.s32 $0xFFFFFFFF  }
0x93: {  	s14 =	sld [smem:$0x12];
	(tm) =	ssettm $0x1  }
0x94: {  	s15 =	sld [smem:$0x3FFB];
	_ =	sdelay $0x3  }
0x95: {  	_ =	strace s15  }
0x96: {  	s1 =	sld [smem:$0x3FFC];
	_ =	sdelay $0x3  }
0x97: {  	_ =	strace s1  }
0x98: {  	s1 =	sld [smem:$0x3FFD];
	_ =	sdelay $0x3  }
0x99: {  	_ =	strace s1  }
0x9a: {  	_ =	strace $0x8FFFFFFF  }
0x9b: {  	s16 =	sld [smem:$0x3FDB];
	_ =	sdelay $0x1  }
0x9c: {  	s17 =	simm.s32 $_scs_section_size  }
0x9d: {  	s3 =	simm.s32 $_size__tile_overlayer_lowered;
	s4 =	simm.s32 $_tile_overlayer_lowered  }
0x9e: {  	s20 =	simm.s32 $0x1BFF;
	s19 =	sshll.u32 s4, $0x1;
	s1 =	sadd.s32 s17, s16  }
0x9f: {  	s5 =	simm.s32 $0x0;
	s18 =	sshll.u32 s3, $0x1;
	s3 =	sadd.s32 s19, s1  }
0xa0: {  	[timem:s5], [sflag:s20] =	dma.local [hbm:s3], s18  }
0xa1: {  	_ =	swait.ge [sflag:s20], s18  }
0xa2: {  	s2 =	ssub.s32 $0x0, s18;
	[sflag:s20] =	ssyncset.done $0x0  }
0xa3: {  	[sflag:s20] =	ssyncadd.s32 s2;
	_ =	sdelay $0x1  }
0xa4: {  	s21 =	simm.s32 $0x1B8B  }
0xa5: {  	_ =	swait.ge [sflag:s21], $0x1  }
0xa6: {  	[sflag:s21] =	ssyncset.done $0x0  }
0xa7: {  	s23 =	simm.s32 $0x1B8E;
	s22 =	sld [smem:$0x3FFE];
	[sflag:s21] =	ssyncadd.s32 $0xFFFFFFFF  }
0xa8: {  	s24 =	simm.s32 $execute0_lowered;
	[smem:$0x3FD2] =	sst s23  }
0xa9: {  	s3 =	sshll.u32 s24, $0x1;
	_ =	strace $0x80000046;
	[dreg:$0x1] =	wrdreg $0xFFFFFFFF  }
0xaa: {  	s25 =	simm.s32 $_size_execute0_lowered;
	s1 =	sadd.s32 s1, s3;
	[dreg:$0x0] =	wrdreg $0x0  }
0xab: {  	s3 =	sshll.u32 s25, $0x1;
	[dreg:$0x2] =	wrdreg s1  }
0xac: {  	[dreg:$0x3] =	wrdreg s3  }
0xad: {  	[dreg:$0x4] =	wrdreg $0xC0  }
0xae: {  	_ =	task [dreg:s5], $0x5FFFF  }
0xaf: {  	[dreg:$0x1] =	wrdreg $0xFFFFFFFF  }
0xb0: {  	[dreg:$0x0] =	wrdreg $0x60  }
0xb1: {  	[dreg:$0x2] =	wrdreg s22  }
0xb2: {  	[dreg:$0x3] =	wrdreg s14  }
0xb3: {  	[dreg:$0x4] =	wrdreg $0x9  }
0xb4: {  	_ =	task.clear_ibuf [dreg:s5], $0x5FFFF;
	_ =	strace $0x90000046  }
0xb5: {  	s26 =	simm.s32 $0x9;
	_ =	strace $0x80000048  }
0xb6: {  	_ =	swait.ge [sflag:s26], $0x1  }
0xb7: {  	[sflag:s26] =	ssyncadd.s32 $0xFFFFFFFF  }
0xb8: {  	_ =	strace $0x90000048  }
0xb9: {  	_ =	sfence  }
0xba: {  	s28 =	sld [smem:$0x0];
	_ =	sdelay $0x1  }
0xbb: {  	s29 =	srdreg.scid  }
0xbc: {  	s30 =	sshll.u32 s29, $0xD;
	s31 =	sshrl.u32 s29, $0x2  }
0xbd: {  	s2 =	sand.u32 $0x4000, s30;
	s1 =	sand.u32 $0x1, s29;
	s0 =	sadd.s32 s31, s28  }
0xbe: {  	s1 =	sor.u32 s2, s1;
	s0 =	sshll.u32 s0, $0x11  }
0xbf: {  	s0 =	sor.u32 s0, s1  }
0xc0: {  	s0 =	sadd.s32 $0x8F2B, s0  }
0xc1: {  	[sflag:s0] =	ssyncadd.remote.s32 $0x1  }
0xc2: {  	_ =	sfence.sel $0xFFFF  }
0xc3: {  	[dreg:$0x0] =	wrdreg $0xFFFFFFFF;
	(pc) =	sbr.abs _section_cstart, $3  }
0xc4: {  	[dreg:$0x1] =	wrdreg $0xFFFFFFFF  }
0xc5: {  	_ =	task.clear_ibuf [dreg:s5], $0x2FFFF;
	_ =	strace $0x9FFFFFFF  }
0xc6: {  	(tm) =	ssettm $0x7FFFFFFF  }
0xc7: {  	_ =	shalt  }
tec
execute0_lowered:
.L_overlay_start_1:
0x0: {  	(tag) =	ssettag $0x1  }
0x1: {  	s2 =	rddreg [dreg:$0x0]  }
0x2: {  	s6 =	rddreg [dreg:$0x1];
	s1 =	stileid.u32  }
0x3: {  	s0 =	rddreg [dreg:$0x2];
	s3 =	simm.s32 $0x0;
	s4 =	sshll.u32 s1, $0x8  }
0x4: {  	[smem:$0x7FF] =	sst s3;
	s4 =	sadd.s32 s4, s2  }
0x5: {  	s29 =	simm.s32 $0x1;
	_ =	strace $0x80000047;
	s4 =	sadd.s32 $0x600, s4  }
0x6: {  	[tilespmem:s3], [sflag:$0x1] =	stream.linear.gather [hbm4b:s4+s3], $0x800, $0x38;
	[tilespmem:$0x900] =	vst v63  }
0x7: {  	_ =	swait.ge [sflag:s29], $0x800  }
0x8: {  	[sflag:s29] =	ssyncset.done $0x0  }
0x9: {  	s5 =	simm.s32 $0x800;
	[sflag:s29] =	ssyncadd.s32 $0xFFFFF800  }
0xa: {  	[tilespmem:s5], [sflag:$0x1] =	stream.linear.gather [hbm4b:s6+s3], $0x40, $0x38;
	[tilespmem:$0x900] =	vst v63  }
0xb: {  	_ =	swait.ge [sflag:s29], $0x40  }
0xc: {  	[sflag:s29] =	ssyncset.done $0x0  }
0xd: {  	[sflag:s29] =	ssyncadd.s32 $0xFFFFFFC0  }
0xe: {  	v0 =	vld [tilespmem:$0x0];
	_ =	sdelay $0x1  }
0xf: {  	v1 =	vld [tilespmem:$0x10];
	_ =	sdelay $0x1  }
0x10: {  	v2 =	vld [tilespmem:$0x20];
	_ =	sdelay $0x1  }
0x11: {  	v3 =	vld [tilespmem:$0x30]  }
0x12: {  	v4 =	vld [tilespmem:$0x40]  }
0x13: {  	v0 =	vld.idx.msk [tilespmem:v0+s5+$0x0], $0xffff  }
0x14: {  	v5 =	vld [tilespmem:$0x50]  }
0x15: {  	v1 =	vld.idx.msk [tilespmem:v1+s5+$0x0], $0xffff  }
0x16: {  	v6 =	vld [tilespmem:$0x60]  }
0x17: {  	v2 =	vld.idx.msk [tilespmem:v2+s5+$0x0], $0xffff  }
0x18: {  	v7 =	vld [tilespmem:$0x70];
	v0 =	vadd.f32 $0.0e+00, v0  }
0x19: {  	v3 =	vld.idx.msk [tilespmem:v3+s5+$0x0], $0xffff  }
0x1a: {  	v35 =	vld [tilespmem:$0x80];
	v0 =	vadd.f32 v1, v0  }
0x1b: {  	v4 =	vld.idx.msk [tilespmem:v4+s5+$0x0], $0xffff  }
0x1c: {  	v36 =	vld [tilespmem:$0x90];
	v0 =	vadd.f32 v2, v0  }
0x1d: {  	v5 =	vld.idx.msk [tilespmem:v5+s5+$0x0], $0xffff  }
0x1e: {  	v37 =	vld [tilespmem:$0xA0];
	v0 =	vadd.f32 v3, v0  }
0x1f: {  	v6 =	vld.idx.msk [tilespmem:v6+s5+$0x0], $0xffff  }
0x20: {  	v38 =	vld [tilespmem:$0xB0];
	v0 =	vadd.f32 v4, v0  }
0x21: {  	v7 =	vld.idx.msk [tilespmem:v7+s5+$0x0], $0xffff  }
0x22: {  	v39 =	vld [tilespmem:$0xC0];
	v0 =	vadd.f32 v5, v0  }
0x23: {  	v1 =	vld.idx.msk [tilespmem:v35+s5+$0x0], $0xffff  }
0x24: {  	v40 =	vld [tilespmem:$0xD0];
	v0 =	vadd.f32 v6, v0  }
0x25: {  	v2 =	vld.idx.msk [tilespmem:v36+s5+$0x0], $0xffff  }
0x26: {  	v41 =	vld [tilespmem:$0xE0];
	v0 =	vadd.f32 v7, v0  }
0x27: {  	v3 =	vld.idx.msk [tilespmem:v37+s5+$0x0], $0xffff  }
0x28: {  	v43 =	vld [tilespmem:$0xF0];
	v0 =	vadd.f32 v1, v0  }
0x29: {  	v42 =	vld.idx.msk [tilespmem:v38+s5+$0x0], $0xffff  }
0x2a: {  	v44 =	vld [tilespmem:$0x100];
	v0 =	vadd.f32 v2, v0  }
0x2b: {  	v5 =	vld.idx.msk [tilespmem:v39+s5+$0x0], $0xffff  }
0x2c: {  	v45 =	vld [tilespmem:$0x110];
	v0 =	vadd.f32 v3, v0  }
0x2d: {  	v6 =	vld.idx.msk [tilespmem:v40+s5+$0x0], $0xffff  }
0x2e: {  	v46 =	vld [tilespmem:$0x120];
	v0 =	vadd.f32 v42, v0  }
0x2f: {  	v7 =	vld.idx.msk [tilespmem:v41+s5+$0x0], $0xffff  }
0x30: {  	v47 =	vld [tilespmem:$0x130];
	v0 =	vadd.f32 v5, v0  }
0x31: {  	v4 =	vld.idx.msk [tilespmem:v43+s5+$0x0], $0xffff  }
0x32: {  	v48 =	vld [tilespmem:$0x140];
	v0 =	vadd.f32 v6, v0  }
0x33: {  	v2 =	vld.idx.msk [tilespmem:v44+s5+$0x0], $0xffff  }
0x34: {  	v49 =	vld [tilespmem:$0x150];
	v0 =	vadd.f32 v7, v0  }
0x35: {  	v3 =	vld.idx.msk [tilespmem:v45+s5+$0x0], $0xffff  }
0x36: {  	v50 =	vld [tilespmem:$0x160];
	v0 =	vadd.f32 v4, v0  }
0x37: {  	v1 =	vld.idx.msk [tilespmem:v46+s5+$0x0], $0xffff  }
0x38: {  	v52 =	vld [tilespmem:$0x170];
	v0 =	vadd.f32 v2, v0  }
0x39: {  	v51 =	vld.idx.msk [tilespmem:v47+s5+$0x0], $0xffff  }
0x3a: {  	v53 =	vld [tilespmem:$0x180];
	v0 =	vadd.f32 v3, v0  }
0x3b: {  	v6 =	vld.idx.msk [tilespmem:v48+s5+$0x0], $0xffff  }
0x3c: {  	v54 =	vld [tilespmem:$0x190];
	v0 =	vadd.f32 v1, v0  }
0x3d: {  	v7 =	vld.idx.msk [tilespmem:v49+s5+$0x0], $0xffff  }
0x3e: {  	v55 =	vld [tilespmem:$0x1A0];
	v0 =	vadd.f32 v51, v0  }
0x3f: {  	v4 =	vld.idx.msk [tilespmem:v50+s5+$0x0], $0xffff  }
0x40: {  	v56 =	vld [tilespmem:$0x1B0];
	v0 =	vadd.f32 v6, v0  }
0x41: {  	v5 =	vld.idx.msk [tilespmem:v52+s5+$0x0], $0xffff  }
0x42: {  	v57 =	vld [tilespmem:$0x1C0];
	v0 =	vadd.f32 v7, v0  }
0x43: {  	v3 =	vld.idx.msk [tilespmem:v53+s5+$0x0], $0xffff  }
0x44: {  	v58 =	vld [tilespmem:$0x1D0];
	v0 =	vadd.f32 v4, v0  }
0x45: {  	v1 =	vld.idx.msk [tilespmem:v54+s5+$0x0], $0xffff  }
0x46: {  	v59 =	vld [tilespmem:$0x1E0];
	v0 =	vadd.f32 v5, v0  }
0x47: {  	v2 =	vld.idx.msk [tilespmem:v55+s5+$0x0], $0xffff  }
0x48: {  	v61 =	vld [tilespmem:$0x1F0];
	v0 =	vadd.f32 v3, v0  }
0x49: {  	v60 =	vld.idx.msk [tilespmem:v56+s5+$0x0], $0xffff  }
0x4a: {  	v62 =	vld [tilespmem:$0x200];
	v0 =	vadd.f32 v1, v0  }
0x4b: {  	v7 =	vld.idx.msk [tilespmem:v57+s5+$0x0], $0xffff  }
0x4c: {  	v63 =	vld [tilespmem:$0x210];
	v0 =	vadd.f32 v2, v0  }
0x4d: {  	v4 =	vld.idx.msk [tilespmem:v58+s5+$0x0], $0xffff  }
0x4e: {  	v9 =	vld [tilespmem:$0x220];
	v0 =	vadd.f32 v60, v0  }
0x4f: {  	v5 =	vld.idx.msk [tilespmem:v59+s5+$0x0], $0xffff  }
0x50: {  	v10 =	vld [tilespmem:$0x230];
	v0 =	vadd.f32 v7, v0  }
0x51: {  	v6 =	vld.idx.msk [tilespmem:v61+s5+$0x0], $0xffff  }
0x52: {  	v11 =	vld [tilespmem:$0x240];
	v0 =	vadd.f32 v4, v0  }
0x53: {  	v1 =	vld.idx.msk [tilespmem:v62+s5+$0x0], $0xffff  }
0x54: {  	v12 =	vld [tilespmem:$0x250];
	v0 =	vadd.f32 v5, v0  }
0x55: {  	v2 =	vld.idx.msk [tilespmem:v63+s5+$0x0], $0xffff  }
0x56: {  	v13 =	vld [tilespmem:$0x260];
	v0 =	vadd.f32 v6, v0  }
0x57: {  	v3 =	vld.idx.msk [tilespmem:v9+s5+$0x0], $0xffff  }
0x58: {  	v15 =	vld [tilespmem:$0x270];
	v0 =	vadd.f32 v1, v0  }
0x59: {  	v14 =	vld.idx.msk [tilespmem:v10+s5+$0x0], $0xffff  }
0x5a: {  	v16 =	vld [tilespmem:$0x280];
	v0 =	vadd.f32 v2, v0  }
0x5b: {  	v4 =	vld.idx.msk [tilespmem:v11+s5+$0x0], $0xffff  }
0x5c: {  	v17 =	vld [tilespmem:$0x290];
	v0 =	vadd.f32 v3, v0  }
0x5d: {  	v5 =	vld.idx.msk [tilespmem:v12+s5+$0x0], $0xffff  }
0x5e: {  	v18 =	vld [tilespmem:$0x2A0];
	v0 =	vadd.f32 v14, v0  }
0x5f: {  	v6 =	vld.idx.msk [tilespmem:v13+s5+$0x0], $0xffff  }
0x60: {  	v19 =	vld [tilespmem:$0x2B0];
	v0 =	vadd.f32 v4, v0  }
0x61: {  	v7 =	vld.idx.msk [tilespmem:v15+s5+$0x0], $0xffff  }
0x62: {  	v20 =	vld [tilespmem:$0x2C0];
	v0 =	vadd.f32 v5, v0  }
0x63: {  	v2 =	vld.idx.msk [tilespmem:v16+s5+$0x0], $0xffff  }
0x64: {  	v21 =	vld [tilespmem:$0x2D0];
	v0 =	vadd.f32 v6, v0  }
0x65: {  	v3 =	vld.idx.msk [tilespmem:v17+s5+$0x0], $0xffff  }
0x66: {  	v22 =	vld [tilespmem:$0x2E0];
	v0 =	vadd.f32 v7, v0  }
0x67: {  	v1 =	vld.idx.msk [tilespmem:v18+s5+$0x0], $0xffff  }
0x68: {  	v24 =	vld [tilespmem:$0x2F0];
	v0 =	vadd.f32 v2, v0  }
0x69: {  	v23 =	vld.idx.msk [tilespmem:v19+s5+$0x0], $0xffff  }
0x6a: {  	v25 =	vld [tilespmem:$0x300];
	v0 =	vadd.f32 v3, v0  }
0x6b: {  	v5 =	vld.idx.msk [tilespmem:v20+s5+$0x0], $0xffff  }
0x6c: {  	v26 =	vld [tilespmem:$0x310];
	v0 =	vadd.f32 v1, v0  }
0x6d: {  	v6 =	vld.idx.msk [tilespmem:v21+s5+$0x0], $0xffff  }
0x6e: {  	v27 =	vld [tilespmem:$0x320];
	v0 =	vadd.f32 v23, v0  }
0x6f: {  	v7 =	vld.idx.msk [tilespmem:v22+s5+$0x0], $0xffff  }
0x70: {  	v28 =	vld [tilespmem:$0x330];
	v0 =	vadd.f32 v5, v0  }
0x71: {  	v4 =	vld.idx.msk [tilespmem:v24+s5+$0x0], $0xffff  }
0x72: {  	v29 =	vld [tilespmem:$0x340];
	v0 =	vadd.f32 v6, v0  }
0x73: {  	v3 =	vld.idx.msk [tilespmem:v25+s5+$0x0], $0xffff  }
0x74: {  	v30 =	vld [tilespmem:$0x350];
	v0 =	vadd.f32 v7, v0  }
0x75: {  	v1 =	vld.idx.msk [tilespmem:v26+s5+$0x0], $0xffff  }
0x76: {  	v31 =	vld [tilespmem:$0x360];
	v0 =	vadd.f32 v4, v0  }
0x77: {  	v2 =	vld.idx.msk [tilespmem:v27+s5+$0x0], $0xffff  }
0x78: {  	v33 =	vld [tilespmem:$0x370];
	v0 =	vadd.f32 v3, v0  }
0x79: {  	v32 =	vld.idx.msk [tilespmem:v28+s5+$0x0], $0xffff  }
0x7a: {  	v34 =	vld [tilespmem:$0x380];
	v0 =	vadd.f32 v1, v0  }
0x7b: {  	v6 =	vld.idx.msk [tilespmem:v29+s5+$0x0], $0xffff  }
0x7c: {  	v35 =	vld [tilespmem:$0x390];
	v0 =	vadd.f32 v2, v0  }
0x7d: {  	v7 =	vld.idx.msk [tilespmem:v30+s5+$0x0], $0xffff  }
0x7e: {  	v36 =	vld [tilespmem:$0x3A0];
	v0 =	vadd.f32 v32, v0  }
0x7f: {  	v4 =	vld.idx.msk [tilespmem:v31+s5+$0x0], $0xffff  }
0x80: {  	v37 =	vld [tilespmem:$0x3B0];
	v0 =	vadd.f32 v6, v0  }
0x81: {  	v5 =	vld.idx.msk [tilespmem:v33+s5+$0x0], $0xffff  }
0x82: {  	v38 =	vld [tilespmem:$0x3C0];
	v0 =	vadd.f32 v7, v0  }
0x83: {  	v1 =	vld.idx.msk [tilespmem:v34+s5+$0x0], $0xffff  }
0x84: {  	v39 =	vld [tilespmem:$0x3D0];
	v0 =	vadd.f32 v4, v0  }
0x85: {  	v2 =	vld.idx.msk [tilespmem:v35+s5+$0x0], $0xffff  }
0x86: {  	v40 =	vld [tilespmem:$0x3E0];
	v0 =	vadd.f32 v5, v0  }
0x87: {  	v3 =	vld.idx.msk [tilespmem:v36+s5+$0x0], $0xffff  }
0x88: {  	v41 =	vld.idx.msk [tilespmem:v37+s5+$0x0], $0xffff;
	v0 =	vadd.f32 v1, v0  }
0x89: {  	v42 =	vld [tilespmem:$0x3F0]  }
0x8a: {  	v43 =	vld [tilespmem:$0x400];
	v0 =	vadd.f32 v2, v0  }
0x8b: {  	v7 =	vld.idx.msk [tilespmem:v38+s5+$0x0], $0xffff  }
0x8c: {  	v44 =	vld [tilespmem:$0x410];
	v0 =	vadd.f32 v3, v0  }
0x8d: {  	v4 =	vld.idx.msk [tilespmem:v39+s5+$0x0], $0xffff  }
0x8e: {  	v45 =	vld [tilespmem:$0x420];
	v0 =	vadd.f32 v41, v0  }
0x8f: {  	v5 =	vld.idx.msk [tilespmem:v40+s5+$0x0], $0xffff  }
0x90: {  	v46 =	vld [tilespmem:$0x430];
	v0 =	vadd.f32 v7, v0  }
0x91: {  	v6 =	vld.idx.msk [tilespmem:v42+s5+$0x0], $0xffff  }
0x92: {  	v47 =	vld [tilespmem:$0x440];
	v0 =	vadd.f32 v4, v0  }
0x93: {  	v2 =	vld.idx.msk [tilespmem:v43+s5+$0x0], $0xffff  }
0x94: {  	v48 =	vld [tilespmem:$0x450];
	v0 =	vadd.f32 v5, v0  }
0x95: {  	v3 =	vld.idx.msk [tilespmem:v44+s5+$0x0], $0xffff  }
0x96: {  	v49 =	vld [tilespmem:$0x460];
	v0 =	vadd.f32 v6, v0  }
0x97: {  	v1 =	vld.idx.msk [tilespmem:v45+s5+$0x0], $0xffff  }
0x98: {  	v50 =	vld.idx.msk [tilespmem:v46+s5+$0x0], $0xffff;
	v0 =	vadd.f32 v2, v0  }
0x99: {  	v51 =	vld [tilespmem:$0x470]  }
0x9a: {  	v52 =	vld [tilespmem:$0x480];
	v0 =	vadd.f32 v3, v0  }
0x9b: {  	v4 =	vld.idx.msk [tilespmem:v47+s5+$0x0], $0xffff  }
0x9c: {  	v53 =	vld [tilespmem:$0x490];
	v0 =	vadd.f32 v1, v0  }
0x9d: {  	v5 =	vld.idx.msk [tilespmem:v48+s5+$0x0], $0xffff  }
0x9e: {  	v54 =	vld [tilespmem:$0x4A0];
	v0 =	vadd.f32 v50, v0  }
0x9f: {  	v6 =	vld.idx.msk [tilespmem:v49+s5+$0x0], $0xffff  }
0xa0: {  	v55 =	vld [tilespmem:$0x4B0];
	v0 =	vadd.f32 v4, v0  }
0xa1: {  	v7 =	vld.idx.msk [tilespmem:v51+s5+$0x0], $0xffff  }
0xa2: {  	v56 =	vld [tilespmem:$0x4C0];
	v0 =	vadd.f32 v5, v0  }
0xa3: {  	v3 =	vld.idx.msk [tilespmem:v52+s5+$0x0], $0xffff  }
0xa4: {  	v57 =	vld [tilespmem:$0x4D0];
	v0 =	vadd.f32 v6, v0  }
0xa5: {  	v1 =	vld.idx.msk [tilespmem:v53+s5+$0x0], $0xffff  }
0xa6: {  	v58 =	vld [tilespmem:$0x4E0];
	v0 =	vadd.f32 v7, v0  }
0xa7: {  	v2 =	vld.idx.msk [tilespmem:v54+s5+$0x0], $0xffff  }
0xa8: {  	v59 =	vld.idx.msk [tilespmem:v55+s5+$0x0], $0xffff;
	v0 =	vadd.f32 v3, v0  }
0xa9: {  	v60 =	vld [tilespmem:$0x4F0]  }
0xaa: {  	v61 =	vld [tilespmem:$0x500];
	v0 =	vadd.f32 v1, v0  }
0xab: {  	v5 =	vld.idx.msk [tilespmem:v56+s5+$0x0], $0xffff  }
0xac: {  	v62 =	vld [tilespmem:$0x510];
	v0 =	vadd.f32 v2, v0  }
0xad: {  	v6 =	vld.idx.msk [tilespmem:v57+s5+$0x0], $0xffff  }
0xae: {  	v63 =	vld [tilespmem:$0x520];
	v0 =	vadd.f32 v59, v0  }
0xaf: {  	v7 =	vld.idx.msk [tilespmem:v58+s5+$0x0], $0xffff  }
0xb0: {  	v9 =	vld [tilespmem:$0x530];
	v0 =	vadd.f32 v5, v0  }
0xb1: {  	v4 =	vld.idx.msk [tilespmem:v60+s5+$0x0], $0xffff  }
0xb2: {  	v10 =	vld [tilespmem:$0x540];
	v0 =	vadd.f32 v6, v0  }
0xb3: {  	v1 =	vld.idx.msk [tilespmem:v61+s5+$0x0], $0xffff  }
0xb4: {  	v11 =	vld [tilespmem:$0x550];
	v0 =	vadd.f32 v7, v0  }
0xb5: {  	v2 =	vld.idx.msk [tilespmem:v62+s5+$0x0], $0xffff  }
0xb6: {  	v12 =	vld [tilespmem:$0x560];
	v0 =	vadd.f32 v4, v0  }
0xb7: {  	v3 =	vld.idx.msk [tilespmem:v63+s5+$0x0], $0xffff  }
0xb8: {  	v13 =	vld.idx.msk [tilespmem:v9+s5+$0x0], $0xffff;
	v0 =	vadd.f32 v1, v0  }
0xb9: {  	v14 =	vld [tilespmem:$0x570]  }
0xba: {  	v15 =	vld [tilespmem:$0x580];
	v0 =	vadd.f32 v2, v0  }
0xbb: {  	v6 =	vld.idx.msk [tilespmem:v10+s5+$0x0], $0xffff  }
0xbc: {  	v16 =	vld [tilespmem:$0x590];
	v0 =	vadd.f32 v3, v0  }
0xbd: {  	v7 =	vld.idx.msk [tilespmem:v11+s5+$0x0], $0xffff  }
0xbe: {  	v17 =	vld [tilespmem:$0x5A0];
	v0 =	vadd.f32 v13, v0  }
0xbf: {  	v4 =	vld.idx.msk [tilespmem:v12+s5+$0x0], $0xffff  }
0xc0: {  	v18 =	vld [tilespmem:$0x5B0];
	v0 =	vadd.f32 v6, v0  }
0xc1: {  	v5 =	vld.idx.msk [tilespmem:v14+s5+$0x0], $0xffff  }
0xc2: {  	v19 =	vld [tilespmem:$0x5C0];
	v0 =	vadd.f32 v7, v0  }
0xc3: {  	v2 =	vld.idx.msk [tilespmem:v15+s5+$0x0], $0xffff  }
0xc4: {  	v20 =	vld [tilespmem:$0x5D0];
	v0 =	vadd.f32 v4, v0  }
0xc5: {  	v3 =	vld.idx.msk [tilespmem:v16+s5+$0x0], $0xffff  }
0xc6: {  	v21 =	vld [tilespmem:$0x5E0];
	v0 =	vadd.f32 v5, v0  }
0xc7: {  	v1 =	vld.idx.msk [tilespmem:v17+s5+$0x0], $0xffff  }
0xc8: {  	v22 =	vld.idx.msk [tilespmem:v18+s5+$0x0], $0xffff;
	v0 =	vadd.f32 v2, v0  }
0xc9: {  	v23 =	vld [tilespmem:$0x5F0]  }
0xca: {  	v24 =	vld [tilespmem:$0x600];
	v0 =	vadd.f32 v3, v0  }
0xcb: {  	v7 =	vld.idx.msk [tilespmem:v19+s5+$0x0], $0xffff  }
0xcc: {  	v25 =	vld [tilespmem:$0x610];
	v0 =	vadd.f32 v1, v0  }
0xcd: {  	v4 =	vld.idx.msk [tilespmem:v20+s5+$0x0], $0xffff  }
0xce: {  	v26 =	vld [tilespmem:$0x620];
	v0 =	vadd.f32 v22, v0  }
0xcf: {  	v5 =	vld.idx.msk [tilespmem:v21+s5+$0x0], $0xffff  }
0xd0: {  	v27 =	vld [tilespmem:$0x630];
	v0 =	vadd.f32 v7, v0  }
0xd1: {  	v6 =	vld.idx.msk [tilespmem:v23+s5+$0x0], $0xffff  }
0xd2: {  	v28 =	vld [tilespmem:$0x640];
	v0 =	vadd.f32 v4, v0  }
0xd3: {  	v3 =	vld.idx.msk [tilespmem:v24+s5+$0x0], $0xffff  }
0xd4: {  	v29 =	vld [tilespmem:$0x650];
	v0 =	vadd.f32 v5, v0  }
0xd5: {  	v1 =	vld.idx.msk [tilespmem:v25+s5+$0x0], $0xffff  }
0xd6: {  	v30 =	vld [tilespmem:$0x660];
	v0 =	vadd.f32 v6, v0  }
0xd7: {  	v2 =	vld.idx.msk [tilespmem:v26+s5+$0x0], $0xffff  }
0xd8: {  	v31 =	vld.idx.msk [tilespmem:v27+s5+$0x0], $0xffff;
	v0 =	vadd.f32 v3, v0  }
0xd9: {  	v32 =	vld [tilespmem:$0x670]  }
0xda: {  	v33 =	vld [tilespmem:$0x680];
	v0 =	vadd.f32 v1, v0  }
0xdb: {  	v4 =	vld.idx.msk [tilespmem:v28+s5+$0x0], $0xffff  }
0xdc: {  	v34 =	vld [tilespmem:$0x690];
	v0 =	vadd.f32 v2, v0  }
0xdd: {  	v5 =	vld.idx.msk [tilespmem:v29+s5+$0x0], $0xffff  }
0xde: {  	v35 =	vld [tilespmem:$0x6A0];
	v0 =	vadd.f32 v31, v0  }
0xdf: {  	v6 =	vld.idx.msk [tilespmem:v30+s5+$0x0], $0xffff  }
0xe0: {  	v36 =	vld [tilespmem:$0x6B0];
	v0 =	vadd.f32 v4, v0  }
0xe1: {  	v7 =	vld.idx.msk [tilespmem:v32+s5+$0x0], $0xffff  }
0xe2: {  	v37 =	vld [tilespmem:$0x6C0];
	v0 =	vadd.f32 v5, v0  }
0xe3: {  	v1 =	vld.idx.msk [tilespmem:v33+s5+$0x0], $0xffff  }
0xe4: {  	v38 =	vld [tilespmem:$0x6D0];
	v0 =	vadd.f32 v6, v0  }
0xe5: {  	v2 =	vld.idx.msk [tilespmem:v34+s5+$0x0], $0xffff  }
0xe6: {  	v39 =	vld [tilespmem:$0x6E0];
	v0 =	vadd.f32 v7, v0  }
0xe7: {  	v3 =	vld.idx.msk [tilespmem:v35+s5+$0x0], $0xffff  }
0xe8: {  	v40 =	vld.idx.msk [tilespmem:v36+s5+$0x0], $0xffff;
	v0 =	vadd.f32 v1, v0  }
0xe9: {  	v41 =	vld [tilespmem:$0x6F0]  }
0xea: {  	v42 =	vld [tilespmem:$0x700];
	v0 =	vadd.f32 v2, v0  }
0xeb: {  	v5 =	vld.idx.msk [tilespmem:v37+s5+$0x0], $0xffff  }
0xec: {  	v43 =	vld [tilespmem:$0x710];
	v0 =	vadd.f32 v3, v0  }
0xed: {  	v6 =	vld.idx.msk [tilespmem:v38+s5+$0x0], $0xffff  }
0xee: {  	v44 =	vld [tilespmem:$0x720];
	v0 =	vadd.f32 v40, v0  }
0xef: {  	v7 =	vld.idx.msk [tilespmem:v39+s5+$0x0], $0xffff  }
0xf0: {  	v45 =	vld [tilespmem:$0x730];
	v0 =	vadd.f32 v5, v0  }
0xf1: {  	v4 =	vld.idx.msk [tilespmem:v41+s5+$0x0], $0xffff  }
0xf2: {  	v46 =	vld [tilespmem:$0x740];
	v0 =	vadd.f32 v6, v0  }
0xf3: {  	v2 =	vld.idx.msk [tilespmem:v42+s5+$0x0], $0xffff  }
0xf4: {  	v47 =	vld [tilespmem:$0x750];
	v0 =	vadd.f32 v7, v0  }
0xf5: {  	v3 =	vld.idx.msk [tilespmem:v43+s5+$0x0], $0xffff  }
0xf6: {  	v48 =	vld [tilespmem:$0x760];
	v0 =	vadd.f32 v4, v0  }
0xf7: {  	v1 =	vld.idx.msk [tilespmem:v44+s5+$0x0], $0xffff  }
0xf8: {  	v49 =	vld.idx.msk [tilespmem:v45+s5+$0x0], $0xffff;
	v0 =	vadd.f32 v2, v0  }
0xf9: {  	v50 =	vld [tilespmem:$0x770]  }
0xfa: {  	v51 =	vld [tilespmem:$0x780];
	v0 =	vadd.f32 v3, v0  }
0xfb: {  	v6 =	vld.idx.msk [tilespmem:v46+s5+$0x0], $0xffff  }
0xfc: {  	v52 =	vld [tilespmem:$0x790];
	v0 =	vadd.f32 v1, v0  }
0xfd: {  	v7 =	vld.idx.msk [tilespmem:v47+s5+$0x0], $0xffff  }
0xfe: {  	v53 =	vld [tilespmem:$0x7A0];
	v0 =	vadd.f32 v49, v0  }
0xff: {  	v4 =	vld.idx.msk [tilespmem:v48+s5+$0x0], $0xffff  }
0x100: {  	v54 =	vld [tilespmem:$0x7B0];
	v0 =	vadd.f32 v6, v0  }
0x101: {  	v5 =	vld.idx.msk [tilespmem:v50+s5+$0x0], $0xffff  }
0x102: {  	v55 =	vld [tilespmem:$0x7C0];
	v0 =	vadd.f32 v7, v0  }
0x103: {  	v3 =	vld.idx.msk [tilespmem:v51+s5+$0x0], $0xffff  }
0x104: {  	v56 =	vld [tilespmem:$0x7D0];
	v0 =	vadd.f32 v4, v0  }
0x105: {  	v1 =	vld.idx.msk [tilespmem:v52+s5+$0x0], $0xffff  }
0x106: {  	v57 =	vld [tilespmem:$0x7E0];
	v0 =	vadd.f32 v5, v0  }
0x107: {  	v2 =	vld.idx.msk [tilespmem:v53+s5+$0x0], $0xffff  }
0x108: {  	v58 =	vld.idx.msk [tilespmem:v54+s5+$0x0], $0xffff;
	v0 =	vadd.f32 v3, v0  }
0x109: {  	v59 =	vld [tilespmem:$0x7F0]  }
0x10a: {  	v0 =	vadd.f32 v1, v0  }
0x10b: {  	v60 =	vld.idx.msk [tilespmem:v55+s5+$0x0], $0xffff  }
0x10c: {  	v0 =	vadd.f32 v2, v0  }
0x10d: {  	v61 =	vld.idx.msk [tilespmem:v56+s5+$0x0], $0xffff  }
0x10e: {  	v0 =	vadd.f32 v58, v0  }
0x10f: {  	v62 =	vld.idx.msk [tilespmem:v57+s5+$0x0], $0xffff  }
0x110: {  	v0 =	vadd.f32 v60, v0  }
0x111: {  	v63 =	vld.idx.msk [tilespmem:v59+s5+$0x0], $0xffff  }
0x112: {  	v0 =	vadd.f32 v61, v0;
	_ =	sdelay $0x1  }
0x113: {  	v0 =	vadd.f32 v62, v0;
	_ =	sdelay $0x1  }
0x114: {  	v0 =	vadd.f32 v63, v0;
	_ =	sdelay $0x1  }
0x115: {  	s30 =	sshll.u32 s1, $0x4;
	v0 =	vmul.f32 $5.960464480e-08, v0  }
0x116: {  	s2 =	sadd.s32 s30, s2  }
0x117: {  	s31 =	simm.s32 $0x880;
	s2 =	sadd.s32 $0x1600, s2;
	[tilespmem:$0x880] =	vst v0  }
0x118: {  	[hbm4b:s2+s3] =	stream.linear.scatter [tilespmem:s31], [sflag:$0x1], $0x80, $0x38;
	[tilespmem:$0x900] =	vst v63  }
0x119: {  	_ =	swait.ge [sflag:s29], $0x80  }
0x11a: {  	[sflag:s29] =	ssyncset.done $0x0  }
0x11b: {  	[sflag:s29] =	ssyncadd.s32 $0xFFFFFF80  }
0x11c: {  	_ =	sfence.sel $0x180000  }
0x11d: {  	[bflag:$0x0] =	sbarrier.arrive $0xFFFF  }
0x11e: {  	p0 =	sne.s32 s1, $0x0;
	_ =	strace $0x90000047  }
0x11f: {  	s0 =	sadd.s32 @!p0 $0x100000, s0;
	[bflag:$0x2] =	sbarrier.arrive $0xFFFF  }
0x120: {  	[sflag:s0] =	ssyncadd.tile.s32 @!p0 $0x1;
	_ =	shalt  }
.Lfunc_end2:
_tile_overlayer_lowered:
.L_overlay_start_2:
0x121: {  	(tag) =	ssettag $0x2  }
0x122: {  	s0 =	rddreg [dreg:$0x0];
	s2 =	stileid.u32  }
0x123: {  	s1 =	rddreg [dreg:$0x1];
	p0 =	sne.s32 s2, $0x0  }
0x124: {  	s3 =	rddreg [dreg:$0x2];
	[bflag:$0x3] =	sbarrier.arrive $0xFFFF;
	s2 =	simm.s32 @!p0 $0x1C01  }
0x125: {  	[timem:s3], [sflag:s2] =	dma.local @!p0 [hbm:s0], s1  }
0x126: {  	s0 =	simm.s32 @!p0 $0x1  }
0x127: {  	_ =	swait.ge @!p0 [sflag:s0], s1  }
0x128: {  	s1 =	ssub.s32 @!p0 $0x0, s1;
	[sflag:s0] =	ssyncset.done @!p0 $0x0  }
0x129: {  	[sflag:s0] =	ssyncadd.s32 @!p0 s1  }
0x12a: {  	[bflag:$0x3] =	sbarrier.arrive $0xFFFF  }
0x12b: {  	_ =	shalt  }

</sc_bundles>
